<compile_context>
chip_gen: v7x
topology: tpu7x:2x2x1
jax: 0.10.2.dev20260603
libtpu: 0.0.44.dev20260713+nightly
codegen_flags: <defaults>
</compile_context>

<pallas_src>
import jax
import jax.numpy as jnp
from jax import lax
from jax.experimental import pallas as pl
from jax.experimental.pallas import tpu as pltpu
from jax.experimental.pallas import tpu_sc as plsc

N_NODES_PAD = 10240
CHUNK = 128
SUP = 8


def _sc_scatter(t_hbm, negrel_hbm, gidx_hbm,
                part_a, part_c,
                idx_v, buf0, buf1, ones_v,
                a_sh, negrel_sh, c_sh,
                gsem0, gsem1, ssem0, ssem1, csem, isem):
    c = lax.axis_index("c")
    s = lax.axis_index("s")
    wid = c * 16 + s

    n_sup = gidx_hbm.shape[1] // SUP - 1
    rows_per_sub = N_NODES_PAD // 16
    bufs = (buf0, buf1)
    gsems = (gsem0, gsem1)
    ssems = (ssem0, ssem1)

    def _fill_row(i, _):
        for j in range(CHUNK // 16):
            buf1[i, pl.ds(j * 16, 16)] = jnp.zeros((16,), jnp.float32)
        return 0
    lax.fori_loop(0, CHUNK, _fill_row, 0)
    for j in range(CHUNK // 16):
        ones_v[pl.ds(j * 16, 16)] = jnp.ones((16,), jnp.float32)

    base = s * rows_per_sub
    for k in range(rows_per_sub // CHUNK):
        pltpu.sync_copy(buf1, a_sh.at[pl.ds(base + k * CHUNK, CHUNK)])
        pltpu.sync_copy(buf1.at[0], c_sh.at[pl.ds(base + k * CHUNK, CHUNK)])

    @pl.when(s == 0)
    def _stage():
        pltpu.sync_copy(negrel_hbm, negrel_sh)
    plsc.subcore_barrier()

    srcs = (t_hbm, negrel_sh)
    d_i0 = pltpu.async_copy(gidx_hbm.at[wid, pl.ds(0, SUP)], idx_v.at[0],
                            isem)
    del d_i0

    def _outer(o, _):
        p = lax.rem(o, 2)
        ip = idx_v.at[p]
        pltpu.make_async_copy(gidx_hbm.at[wid, pl.ds(o * SUP, SUP)],
                              ip, isem).wait()
        pltpu.async_copy(gidx_hbm.at[wid, pl.ds((o + 1) * SUP, SUP)],
                         idx_v.at[1 - p], isem)
        d_g = [None] * SUP
        d_s = [None] * SUP
        d_g[0] = pltpu.async_copy(srcs[0].at[ip.at[0, 0]], buf0, gsem0)
        d_g[1] = pltpu.async_copy(srcs[1].at[ip.at[1, 0]], buf1, gsem1)
        for j in range(SUP):
            b = j % 2
            d_g[j].wait()
            d_s[j] = pltpu.async_copy(bufs[b], a_sh.at[ip.at[j, 1]],
                                      ssems[b], add=True)
            if j + 2 < SUP:
                d_s[j].wait()
                d_g[j + 2] = pltpu.async_copy(srcs[b].at[ip.at[j + 2, 0]],
                                              bufs[b], gsems[b])
        d_s[SUP - 2].wait()
        d_s[SUP - 1].wait()
        return 0
    lax.fori_loop(0, n_sup, _outer, 0)
    pltpu.make_async_copy(gidx_hbm.at[wid, pl.ds(n_sup * SUP, SUP)],
                          idx_v.at[lax.rem(n_sup, 2)], isem).wait()

    def _couter(o, _):
        p = lax.rem(o, 2)
        ip = idx_v.at[p]
        pltpu.sync_copy(gidx_hbm.at[wid, pl.ds(o * SUP, SUP)], ip)
        d_c = [pltpu.async_copy(ones_v, c_sh.at[ip.at[j, 2]], csem,
                                add=True)
               for j in range(SUP)]
        for d in d_c:
            d.wait()
        return 0
    lax.fori_loop(0, n_sup // 2, _couter, 0)
    plsc.subcore_barrier()

    pltpu.sync_copy(a_sh.at[pl.ds(base, rows_per_sub)],
                    part_a.at[c, pl.ds(base, rows_per_sub)])
    pltpu.sync_copy(c_sh.at[pl.ds(base, rows_per_sub)],
                    part_c.at[c, pl.ds(base, rows_per_sub)])


def _tc_finish(pa_ref, pc_ref, wt_ref, out_ref):
    x = pa_ref[0] + pa_ref[1]
    y = jnp.dot(x, wt_ref[...], preferred_element_type=jnp.float32)
    cnt = pc_ref[0] + pc_ref[1]
    out_ref[...] = y / cnt[:, None]


def kernel(node_states, edge_indices, rel_states, W):
    batch, n_nodes, comp_dim = node_states.shape
    out_dim = W.shape[0]
    n_edges = edge_indices.shape[1]
    n_rel = rel_states.shape[0]

    table = node_states[0]
    negrel = jnp.concatenate([-rel_states,
                              jnp.zeros((8, comp_dim), jnp.float32)])

    dst = edge_indices[1]
    src = edge_indices[2]
    rel = edge_indices[3]

    dummy_dst = n_nodes

    hpw = n_edges // 32
    hcpw = -(-hpw // (CHUNK * (SUP // 2))) * (CHUNK * (SUP // 2))
    pad_h = hcpw - hpw
    hsrc = jnp.concatenate([src.reshape(32, -1),
                            jnp.zeros((32, pad_h), jnp.int32)], axis=1)
    hdst = jnp.concatenate([dst.reshape(32, -1),
                            jnp.full((32, pad_h), dummy_dst, jnp.int32)],
                           axis=1)
    rsrc = jnp.roll(rel.reshape(32, -1), hpw // 2, axis=1)
    rdst = jnp.roll(dst.reshape(32, -1), hpw // 2, axis=1)
    rsrc = jnp.concatenate([rsrc,
                            jnp.full((32, pad_h), n_rel, jnp.int32)], axis=1)
    rdst = jnp.concatenate([rdst,
                            jnp.full((32, pad_h), dummy_dst, jnp.int32)],
                           axis=1)
    n_hc = hcpw // CHUNK
    splane = jnp.stack([hsrc.reshape(32, n_hc, CHUNK),
                        rsrc.reshape(32, n_hc, CHUNK)],
                       axis=2).reshape(32, 2 * n_hc, CHUNK)
    dplane = jnp.stack([hdst.reshape(32, n_hc, CHUNK),
                        rdst.reshape(32, n_hc, CHUNK)],
                       axis=2).reshape(32, 2 * n_hc, CHUNK)
    cplane = jnp.concatenate(
        [hdst.reshape(32, n_hc, CHUNK),
         jnp.full((32, n_hc, CHUNK), dummy_dst, jnp.int32)], axis=1)
    gidx = jnp.stack([splane, dplane, cplane], axis=2)
    pad_sup = jnp.full((32, SUP, 3, CHUNK), dummy_dst, jnp.int32)
    pad_sup = pad_sup.at[:, :, 0, :].set(0)
    gidx = jnp.concatenate([gidx, pad_sup], axis=1)

    mesh = plsc.VectorSubcoreMesh(core_axis_name="c", subcore_axis_name="s")
    sc_call = pl.kernel(
        _sc_scatter,
        out_type=[
            jax.ShapeDtypeStruct((2, N_NODES_PAD, comp_dim), jnp.float32),
            jax.ShapeDtypeStruct((2, N_NODES_PAD), jnp.float32),
        ],
        mesh=mesh,
        scratch_types=[
            pltpu.VMEM((2, SUP, 3, CHUNK), jnp.int32),
            pltpu.VMEM((CHUNK, comp_dim), jnp.float32),
            pltpu.VMEM((CHUNK, comp_dim), jnp.float32),
            pltpu.VMEM((CHUNK,), jnp.float32),
            pltpu.VMEM_SHARED((N_NODES_PAD, comp_dim), jnp.float32),
            pltpu.VMEM_SHARED((n_rel + 8, comp_dim), jnp.float32),
            pltpu.VMEM_SHARED((N_NODES_PAD,), jnp.float32),
            pltpu.SemaphoreType.DMA,
            pltpu.SemaphoreType.DMA,
            pltpu.SemaphoreType.DMA,
            pltpu.SemaphoreType.DMA,
            pltpu.SemaphoreType.DMA,
            pltpu.SemaphoreType.DMA,
        ],
    )
    part_a, part_c = sc_call(table, negrel, gidx)

    blk = 1024
    grid = N_NODES_PAD // blk
    out = pl.pallas_call(
        _tc_finish,
        grid=(grid,),
        in_specs=[
            pl.BlockSpec((2, blk, comp_dim), lambda i: (0, i, 0)),
            pl.BlockSpec((2, blk), lambda i: (0, i)),
            pl.BlockSpec((comp_dim, out_dim), lambda i: (0, 0)),
        ],
        out_specs=pl.BlockSpec((blk, out_dim), lambda i: (i, 0)),
        out_shape=jax.ShapeDtypeStruct((N_NODES_PAD, out_dim), jnp.float32),
    )(part_a, part_c, W.T)

    return out[:n_nodes][None]

# --- scband reference (transcript-rebuilt; emitter-appended) ---
"""Pipeline reference for scband-cgcn-node-update-24412594110749 (READ-ONLY COPY).

The authoritative reference and input builder live on the scoring server;
editing this copy changes nothing except your own understanding.
"""

import jax, jax.numpy as jnp
import numpy as np

BATCH = 1
N_NODES = 10000
N_EDGES = 320000
COMP_DIM = 128
OUT_DIM = 128
N_RELATIONS = 200


def setup_inputs(seed: int = 0) -> dict:
    key = jax.random.key(seed)
    k1, k2, k3, k4, k5, k6 = jax.random.split(key, 6)
    node_states = jax.random.normal(k1, (BATCH, N_NODES, COMP_DIM), dtype=jnp.float32)
    rel_states = jax.random.normal(k2, (N_RELATIONS, COMP_DIM), dtype=jnp.float32)
    # torch.nn.Linear(comp_dim, out_dim, bias=False) weight has shape [out_dim, comp_dim]
    W = jax.random.normal(k3, (OUT_DIM, COMP_DIM), dtype=jnp.float32) * (1.0 / np.sqrt(COMP_DIM))
    # edge_indices rows: [batch_idx, dst_node, src_node, relation_idx]
    edge_b = jnp.zeros((N_EDGES,), dtype=jnp.int32)  # batch=1 -> all zeros
    edge_dst = jax.random.randint(k4, (N_EDGES,), 0, N_NODES, dtype=jnp.int32)
    edge_src = jax.random.randint(k5, (N_EDGES,), 0, N_NODES, dtype=jnp.int32)
    edge_rel = jax.random.randint(k6, (N_EDGES,), 0, N_RELATIONS, dtype=jnp.int32)
    edge_indices = jnp.stack([edge_b, edge_dst, edge_src, edge_rel], axis=0)
    return {"node_states": node_states, "edge_indices": edge_indices, "rel_states": rel_states, "W": W}


def reference(node_states, edge_indices, rel_states, W):
    batch_size, num_nodes = node_states.shape[0], node_states.shape[1]
    out_dim = W.shape[0]
    b_idx = edge_indices[0]
    dst = edge_indices[1]
    src = edge_indices[2]
    rel = edge_indices[3]
    # comp op: h - r (default CompGCN subtraction composition)
    comps = node_states[b_idx, src] - rel_states[rel]
    # linear projection (no bias)
    comps = comps @ W.T
    # sparse_coo_tensor(...).coalesce().to_dense() == scatter-add over (batch, dst)
    summed = jnp.zeros((batch_size, num_nodes, out_dim), dtype=comps.dtype).at[b_idx, dst].add(comps)
    counts = jnp.zeros((batch_size, num_nodes), dtype=comps.dtype).at[b_idx, dst].add(1.0)
    average = summed / counts[:, :, None]
    return average

if __name__ == "__main__":
    import jax
    _d = setup_inputs()
    print(jax.jit(kernel)(*tuple(_d.values())))

</pallas_src>

<mosaic_0001>
#map = affine_map<(d0, d1) -> (0, 0)>
#map1 = affine_map<(d0, d1) -> (0, 0, 0, 0)>
#map2 = affine_map<(d0, d1) -> (0, 0, 0)>
module attributes {stable_mosaic.version = 14 : i64} {
  func.func @_sc_scatter(%arg0: i32, %arg1: i32, %arg2: memref<10000x128xf32, #tpu.memory_space<hbm>>, %arg3: memref<208x128xf32, #tpu.memory_space<hbm>>, %arg4: memref<32x168x3x128xi32, #tpu.memory_space<hbm>>, %arg5: memref<2x10240x128xf32, #tpu.memory_space<hbm>>, %arg6: memref<2x10240xf32, #tpu.memory_space<hbm>>, %arg7: memref<2x8x3x128xi32, #tpu.memory_space<vmem>>, %arg8: memref<128x128xf32, #tpu.memory_space<vmem>>, %arg9: memref<128x128xf32, #tpu.memory_space<vmem>>, %arg10: memref<128xf32, #tpu.memory_space<vmem>>, %arg11: memref<10240x128xf32, #tpu.memory_space<vmem_shared>>, %arg12: memref<208x128xf32, #tpu.memory_space<vmem_shared>>, %arg13: memref<10240xf32, #tpu.memory_space<vmem_shared>>, %arg14: memref<!tpu.dma_semaphore, #tpu.memory_space<semaphore_mem>>, %arg15: memref<!tpu.dma_semaphore, #tpu.memory_space<semaphore_mem>>, %arg16: memref<!tpu.dma_semaphore, #tpu.memory_space<semaphore_mem>>, %arg17: memref<!tpu.dma_semaphore, #tpu.memory_space<semaphore_mem>>, %arg18: memref<!tpu.dma_semaphore, #tpu.memory_space<semaphore_mem>>, %arg19: memref<!tpu.dma_semaphore, #tpu.memory_space<semaphore_mem>>) attributes {dimension_semantics = [#tpu.dimension_semantics<core_parallel>, #tpu.dimension_semantics<subcore_parallel>], iteration_bounds = array<i64: 2, 16>, scalar_prefetch = 0 : i64, scratch_operands = 13 : i64, tpu.core_type = #tpu.core_type<sc_vector_subcore>, window_params = [{transform_indices = #map}, {transform_indices = #map}, {transform_indices = #map1}, {transform_indices = #map2}, {transform_indices = #map}]} {
    %mul3A = arith.constant 16 : i32
    %mul3A_0 = arith.muli %arg0, %mul3A : i32
    %add3A = arith.addi %mul3A_0, %arg1 : i32
    %scan3A = arith.constant 0 : i32
    %scan3A_1 = arith.constant 0 : i32
    %scan3A_2 = arith.constant 128 : i32
    %scan3A_3 = arith.addi %scan3A_1, %scan3A_2 : i32
    %scan3A_4 = arith.constant 1 : i32
    %scan3A_5 = scf.for %scan3A_137 = %scan3A_1 to %scan3A_3 step %scan3A_4 iter_args(%scan3A_138 = %scan3A) -> (i32)  : i32 {
      %broadcast_in_dim3A_139 = arith.constant 0.000000e+00 : f32
      %broadcast_in_dim3A_140 = vector.broadcast %broadcast_in_dim3A_139 : f32 to vector<16xf32>
      %swap3A_141 = arith.index_cast %scan3A_137 : i32 to index
      %swap3A_142 = arith.constant 0 : index
      %swap3A_143 = tpu.vector_load %arg9[%swap3A_141, %swap3A_142] {strides = array<i32>} : memref<128x128xf32, #tpu.memory_space<vmem>>, vector<1x16xf32>,
      %swap3A_144 = vector.shape_cast %swap3A_143 : vector<1x16xf32> to vector<16xf32>
      %swap3A_145 = vector.shape_cast %broadcast_in_dim3A_140 : vector<16xf32> to vector<1x16xf32>
      tpu.vector_store %arg9[%swap3A_141, %swap3A_142], %swap3A_145 {strides = array<i32>} : memref<128x128xf32, #tpu.memory_space<vmem>>, vector<1x16xf32>,
      %broadcast_in_dim3A_146 = arith.constant 0.000000e+00 : f32
      %broadcast_in_dim3A_147 = vector.broadcast %broadcast_in_dim3A_146 : f32 to vector<16xf32>
      %swap3A_148 = arith.index_cast %scan3A_137 : i32 to index
      %swap3A_149 = arith.constant 16 : index
      %swap3A_150 = tpu.vector_load %arg9[%swap3A_148, %swap3A_149] {strides = array<i32>} : memref<128x128xf32, #tpu.memory_space<vmem>>, vector<1x16xf32>,
      %swap3A_151 = vector.shape_cast %swap3A_150 : vector<1x16xf32> to vector<16xf32>
      %swap3A_152 = vector.shape_cast %broadcast_in_dim3A_147 : vector<16xf32> to vector<1x16xf32>
      tpu.vector_store %arg9[%swap3A_148, %swap3A_149], %swap3A_152 {strides = array<i32>} : memref<128x128xf32, #tpu.memory_space<vmem>>, vector<1x16xf32>,
      %broadcast_in_dim3A_153 = arith.constant 0.000000e+00 : f32
      %broadcast_in_dim3A_154 = vector.broadcast %broadcast_in_dim3A_153 : f32 to vector<16xf32>
      %swap3A_155 = arith.index_cast %scan3A_137 : i32 to index
      %swap3A_156 = arith.constant 32 : index
      %swap3A_157 = tpu.vector_load %arg9[%swap3A_155, %swap3A_156] {strides = array<i32>} : memref<128x128xf32, #tpu.memory_space<vmem>>, vector<1x16xf32>,
      %swap3A_158 = vector.shape_cast %swap3A_157 : vector<1x16xf32> to vector<16xf32>
      %swap3A_159 = vector.shape_cast %broadcast_in_dim3A_154 : vector<16xf32> to vector<1x16xf32>
      tpu.vector_store %arg9[%swap3A_155, %swap3A_156], %swap3A_159 {strides = array<i32>} : memref<128x128xf32, #tpu.memory_space<vmem>>, vector<1x16xf32>,
      %broadcast_in_dim3A_160 = arith.constant 0.000000e+00 : f32
      %broadcast_in_dim3A_161 = vector.broadcast %broadcast_in_dim3A_160 : f32 to vector<16xf32>
      %swap3A_162 = arith.index_cast %scan3A_137 : i32 to index
      %swap3A_163 = arith.constant 48 : index
      %swap3A_164 = tpu.vector_load %arg9[%swap3A_162, %swap3A_163] {strides = array<i32>} : memref<128x128xf32, #tpu.memory_space<vmem>>, vector<1x16xf32>,
      %swap3A_165 = vector.shape_cast %swap3A_164 : vector<1x16xf32> to vector<16xf32>
      %swap3A_166 = vector.shape_cast %broadcast_in_dim3A_161 : vector<16xf32> to vector<1x16xf32>
      tpu.vector_store %arg9[%swap3A_162, %swap3A_163], %swap3A_166 {strides = array<i32>} : memref<128x128xf32, #tpu.memory_space<vmem>>, vector<1x16xf32>,
      %broadcast_in_dim3A_167 = arith.constant 0.000000e+00 : f32
      %broadcast_in_dim3A_168 = vector.broadcast %broadcast_in_dim3A_167 : f32 to vector<16xf32>
      %swap3A_169 = arith.index_cast %scan3A_137 : i32 to index
      %swap3A_170 = arith.constant 64 : index
      %swap3A_171 = tpu.vector_load %arg9[%swap3A_169, %swap3A_170] {strides = array<i32>} : memref<128x128xf32, #tpu.memory_space<vmem>>, vector<1x16xf32>,
      %swap3A_172 = vector.shape_cast %swap3A_171 : vector<1x16xf32> to vector<16xf32>
      %swap3A_173 = vector.shape_cast %broadcast_in_dim3A_168 : vector<16xf32> to vector<1x16xf32>
      tpu.vector_store %arg9[%swap3A_169, %swap3A_170], %swap3A_173 {strides = array<i32>} : memref<128x128xf32, #tpu.memory_space<vmem>>, vector<1x16xf32>,
      %broadcast_in_dim3A_174 = arith.constant 0.000000e+00 : f32
      %broadcast_in_dim3A_175 = vector.broadcast %broadcast_in_dim3A_174 : f32 to vector<16xf32>
      %swap3A_176 = arith.index_cast %scan3A_137 : i32 to index
      %swap3A_177 = arith.constant 80 : index
      %swap3A_178 = tpu.vector_load %arg9[%swap3A_176, %swap3A_177] {strides = array<i32>} : memref<128x128xf32, #tpu.memory_space<vmem>>, vector<1x16xf32>,
      %swap3A_179 = vector.shape_cast %swap3A_178 : vector<1x16xf32> to vector<16xf32>
      %swap3A_180 = vector.shape_cast %broadcast_in_dim3A_175 : vector<16xf32> to vector<1x16xf32>
      tpu.vector_store %arg9[%swap3A_176, %swap3A_177], %swap3A_180 {strides = array<i32>} : memref<128x128xf32, #tpu.memory_space<vmem>>, vector<1x16xf32>,
      %broadcast_in_dim3A_181 = arith.constant 0.000000e+00 : f32
      %broadcast_in_dim3A_182 = vector.broadcast %broadcast_in_dim3A_181 : f32 to vector<16xf32>
      %swap3A_183 = arith.index_cast %scan3A_137 : i32 to index
      %swap3A_184 = arith.constant 96 : index
      %swap3A_185 = tpu.vector_load %arg9[%swap3A_183, %swap3A_184] {strides = array<i32>} : memref<128x128xf32, #tpu.memory_space<vmem>>, vector<1x16xf32>,
      %swap3A_186 = vector.shape_cast %swap3A_185 : vector<1x16xf32> to vector<16xf32>
      %swap3A_187 = vector.shape_cast %broadcast_in_dim3A_182 : vector<16xf32> to vector<1x16xf32>
      tpu.vector_store %arg9[%swap3A_183, %swap3A_184], %swap3A_187 {strides = array<i32>} : memref<128x128xf32, #tpu.memory_space<vmem>>, vector<1x16xf32>,
      %broadcast_in_dim3A_188 = arith.constant 0.000000e+00 : f32
      %broadcast_in_dim3A_189 = vector.broadcast %broadcast_in_dim3A_188 : f32 to vector<16xf32>
      %swap3A_190 = arith.index_cast %scan3A_137 : i32 to index
      %swap3A_191 = arith.constant 112 : index
      %swap3A_192 = tpu.vector_load %arg9[%swap3A_190, %swap3A_191] {strides = array<i32>} : memref<128x128xf32, #tpu.memory_space<vmem>>, vector<1x16xf32>,
      %swap3A_193 = vector.shape_cast %swap3A_192 : vector<1x16xf32> to vector<16xf32>
      %swap3A_194 = vector.shape_cast %broadcast_in_dim3A_189 : vector<16xf32> to vector<1x16xf32>
      tpu.vector_store %arg9[%swap3A_190, %swap3A_191], %swap3A_194 {strides = array<i32>} : memref<128x128xf32, #tpu.memory_space<vmem>>, vector<1x16xf32>,
      %scan3A_195 = arith.constant 0 : i32
      scf.yield %scan3A_195 : i32
    }
    %scan3A_6 = arith.constant 128 : i32
    %broadcast_in_dim3A = arith.constant 1.000000e+00 : f32
    %broadcast_in_dim3A_7 = vector.broadcast %broadcast_in_dim3A : f32 to vector<16xf32>
    %swap3A = arith.constant 0 : index
    %swap3A_8 = tpu.vector_load %arg10[%swap3A] {strides = array<i32>} : memref<128xf32, #tpu.memory_space<vmem>>, vector<16xf32>,
    %swap3A_9 = vector.shape_cast %swap3A_8 : vector<16xf32> to vector<16xf32>
    %swap3A_10 = vector.shape_cast %broadcast_in_dim3A_7 : vector<16xf32> to vector<16xf32>
    tpu.vector_store %arg10[%swap3A], %swap3A_10 {strides = array<i32>} : memref<128xf32, #tpu.memory_space<vmem>>, vector<16xf32>,
    %broadcast_in_dim3A_11 = arith.constant 1.000000e+00 : f32
    %broadcast_in_dim3A_12 = vector.broadcast %broadcast_in_dim3A_11 : f32 to vector<16xf32>
    %swap3A_13 = arith.constant 16 : index
    %swap3A_14 = tpu.vector_load %arg10[%swap3A_13] {strides = array<i32>} : memref<128xf32, #tpu.memory_space<vmem>>, vector<16xf32>,
    %swap3A_15 = vector.shape_cast %swap3A_14 : vector<16xf32> to vector<16xf32>
    %swap3A_16 = vector.shape_cast %broadcast_in_dim3A_12 : vector<16xf32> to vector<16xf32>
    tpu.vector_store %arg10[%swap3A_13], %swap3A_16 {strides = array<i32>} : memref<128xf32, #tpu.memory_space<vmem>>, vector<16xf32>,
    %broadcast_in_dim3A_17 = arith.constant 1.000000e+00 : f32
    %broadcast_in_dim3A_18 = vector.broadcast %broadcast_in_dim3A_17 : f32 to vector<16xf32>
    %swap3A_19 = arith.constant 32 : index
    %swap3A_20 = tpu.vector_load %arg10[%swap3A_19] {strides = array<i32>} : memref<128xf32, #tpu.memory_space<vmem>>, vector<16xf32>,
    %swap3A_21 = vector.shape_cast %swap3A_20 : vector<16xf32> to vector<16xf32>
    %swap3A_22 = vector.shape_cast %broadcast_in_dim3A_18 : vector<16xf32> to vector<16xf32>
    tpu.vector_store %arg10[%swap3A_19], %swap3A_22 {strides = array<i32>} : memref<128xf32, #tpu.memory_space<vmem>>, vector<16xf32>,
    %broadcast_in_dim3A_23 = arith.constant 1.000000e+00 : f32
    %broadcast_in_dim3A_24 = vector.broadcast %broadcast_in_dim3A_23 : f32 to vector<16xf32>
    %swap3A_25 = arith.constant 48 : index
    %swap3A_26 = tpu.vector_load %arg10[%swap3A_25] {strides = array<i32>} : memref<128xf32, #tpu.memory_space<vmem>>, vector<16xf32>,
    %swap3A_27 = vector.shape_cast %swap3A_26 : vector<16xf32> to vector<16xf32>
    %swap3A_28 = vector.shape_cast %broadcast_in_dim3A_24 : vector<16xf32> to vector<16xf32>
    tpu.vector_store %arg10[%swap3A_25], %swap3A_28 {strides = array<i32>} : memref<128xf32, #tpu.memory_space<vmem>>, vector<16xf32>,
    %broadcast_in_dim3A_29 = arith.constant 1.000000e+00 : f32
    %broadcast_in_dim3A_30 = vector.broadcast %broadcast_in_dim3A_29 : f32 to vector<16xf32>
    %swap3A_31 = arith.constant 64 : index
    %swap3A_32 = tpu.vector_load %arg10[%swap3A_31] {strides = array<i32>} : memref<128xf32, #tpu.memory_space<vmem>>, vector<16xf32>,
    %swap3A_33 = vector.shape_cast %swap3A_32 : vector<16xf32> to vector<16xf32>
    %swap3A_34 = vector.shape_cast %broadcast_in_dim3A_30 : vector<16xf32> to vector<16xf32>
    tpu.vector_store %arg10[%swap3A_31], %swap3A_34 {strides = array<i32>} : memref<128xf32, #tpu.memory_space<vmem>>, vector<16xf32>,
    %broadcast_in_dim3A_35 = arith.constant 1.000000e+00 : f32
    %broadcast_in_dim3A_36 = vector.broadcast %broadcast_in_dim3A_35 : f32 to vector<16xf32>
    %swap3A_37 = arith.constant 80 : index
    %swap3A_38 = tpu.vector_load %arg10[%swap3A_37] {strides = array<i32>} : memref<128xf32, #tpu.memory_space<vmem>>, vector<16xf32>,
    %swap3A_39 = vector.shape_cast %swap3A_38 : vector<16xf32> to vector<16xf32>
    %swap3A_40 = vector.shape_cast %broadcast_in_dim3A_36 : vector<16xf32> to vector<16xf32>
    tpu.vector_store %arg10[%swap3A_37], %swap3A_40 {strides = array<i32>} : memref<128xf32, #tpu.memory_space<vmem>>, vector<16xf32>,
    %broadcast_in_dim3A_41 = arith.constant 1.000000e+00 : f32
    %broadcast_in_dim3A_42 = vector.broadcast %broadcast_in_dim3A_41 : f32 to vector<16xf32>
    %swap3A_43 = arith.constant 96 : index
    %swap3A_44 = tpu.vector_load %arg10[%swap3A_43] {strides = array<i32>} : memref<128xf32, #tpu.memory_space<vmem>>, vector<16xf32>,
    %swap3A_45 = vector.shape_cast %swap3A_44 : vector<16xf32> to vector<16xf32>
    %swap3A_46 = vector.shape_cast %broadcast_in_dim3A_42 : vector<16xf32> to vector<16xf32>
    tpu.vector_store %arg10[%swap3A_43], %swap3A_46 {strides = array<i32>} : memref<128xf32, #tpu.memory_space<vmem>>, vector<16xf32>,
    %broadcast_in_dim3A_47 = arith.constant 1.000000e+00 : f32
    %broadcast_in_dim3A_48 = vector.broadcast %broadcast_in_dim3A_47 : f32 to vector<16xf32>
    %swap3A_49 = arith.constant 112 : index
    %swap3A_50 = tpu.vector_load %arg10[%swap3A_49] {strides = array<i32>} : memref<128xf32, #tpu.memory_space<vmem>>, vector<16xf32>,
    %swap3A_51 = vector.shape_cast %swap3A_50 : vector<16xf32> to vector<16xf32>
    %swap3A_52 = vector.shape_cast %broadcast_in_dim3A_48 : vector<16xf32> to vector<16xf32>
    tpu.vector_store %arg10[%swap3A_49], %swap3A_52 {strides = array<i32>} : memref<128xf32, #tpu.memory_space<vmem>>, vector<16xf32>,
    %mul3A_53 = arith.constant 640 : i32
    %mul3A_54 = arith.muli %arg1, %mul3A_53 : i32
    %add3A_55 = arith.constant 0 : i32
    %add3A_56 = arith.addi %mul3A_54, %add3A_55 : i32
    "tpu.region"() ({
      %run_scoped3A_137 = tpu.sem_alloc : memref<!tpu.dma_semaphore, #tpu.memory_space<semaphore_mem>>
      %dma_start3A_138 = arith.constant 0 : i32
      %dma_start3A_139 = tpu.memref_slice %arg11[%add3A_56, %dma_start3A_138] : memref<10240x128xf32, #tpu.memory_space<vmem_shared>> -> memref<128x128xf32, #tpu.memory_space<vmem_shared>>
      %dma_start3A_140 = arith.constant 0 : i32
      %dma_start3A_141 = tpu.memref_slice %arg11[%add3A_56, %dma_start3A_140] : memref<10240x128xf32, #tpu.memory_space<vmem_shared>> -> memref<128x128xf32, #tpu.memory_space<vmem_shared>>
      tpu.enqueue_dma source(%arg9 : memref<128x128xf32, #tpu.memory_space<vmem>>) target(%dma_start3A_141 : memref<128x128xf32, #tpu.memory_space<vmem_shared>>) target_semaphore(%run_scoped3A_137 : memref<!tpu.dma_semaphore, #tpu.memory_space<semaphore_mem>>)
      %dma_wait3A_142 = arith.constant 0 : i32
      %dma_wait3A_143 = tpu.memref_slice %arg11[%add3A_56, %dma_wait3A_142] : memref<10240x128xf32, #tpu.memory_space<vmem_shared>> -> memref<128x128xf32, #tpu.memory_space<vmem_shared>>
      %dma_wait3A_144 = arith.constant 0 : i32
      %dma_wait3A_145 = tpu.memref_slice %arg11[%add3A_56, %dma_wait3A_144] : memref<10240x128xf32, #tpu.memory_space<vmem_shared>> -> memref<128x128xf32, #tpu.memory_space<vmem_shared>>
      tpu.wait_dma2 semaphore(%run_scoped3A_137 : memref<!tpu.dma_semaphore, #tpu.memory_space<semaphore_mem>>) src(%arg9 : memref<128x128xf32, #tpu.memory_space<vmem>>) dst(%dma_wait3A_145 : memref<128x128xf32, #tpu.memory_space<vmem_shared>>)
      tpu.yield
    }) : () -> ()
    %add3A_57 = arith.constant 0 : i32
    %add3A_58 = arith.addi %mul3A_54, %add3A_57 : i32
    %run_scoped3A = arith.constant 0 : i32
    "tpu.region"() ({
      %run_scoped3A_137 = tpu.sem_alloc : memref<!tpu.dma_semaphore, #tpu.memory_space<semaphore_mem>>
      %dma_start3A_138 = arith.constant 0 : i32
      %dma_start3A_139 = tpu.memref_slice %arg9[%run_scoped3A, %dma_start3A_138] : memref<128x128xf32, #tpu.memory_space<vmem>> -> memref<1x128xf32, #tpu.memory_space<vmem>>
      %dma_start3A_140 = tpu.memref_squeeze %dma_start3A_139 : memref<1x128xf32, #tpu.memory_space<vmem>> -> memref<128xf32, #tpu.memory_space<vmem>>
      %dma_start3A_141 = tpu.memref_slice %arg13[%add3A_58] : memref<10240xf32, #tpu.memory_space<vmem_shared>> -> memref<128xf32, #tpu.memory_space<vmem_shared>>
      %dma_start3A_142 = tpu.memref_slice %arg13[%add3A_58] : memref<10240xf32, #tpu.memory_space<vmem_shared>> -> memref<128xf32, #tpu.memory_space<vmem_shared>>
      %dma_start3A_143 = arith.constant 0 : i32
      %dma_start3A_144 = tpu.memref_slice %arg9[%run_scoped3A, %dma_start3A_143] : memref<128x128xf32, #tpu.memory_space<vmem>> -> memref<1x128xf32, #tpu.memory_space<vmem>>
      %dma_start3A_145 = tpu.memref_squeeze %dma_start3A_144 : memref<1x128xf32, #tpu.memory_space<vmem>> -> memref<128xf32, #tpu.memory_space<vmem>>
      tpu.enqueue_dma source(%dma_start3A_145 : memref<128xf32, #tpu.memory_space<vmem>>) target(%dma_start3A_142 : memref<128xf32, #tpu.memory_space<vmem_shared>>) target_semaphore(%run_scoped3A_137 : memref<!tpu.dma_semaphore, #tpu.memory_space<semaphore_mem>>)
      %dma_wait3A_146 = arith.constant 0 : i32
      %dma_wait3A_147 = tpu.memref_slice %arg9[%run_scoped3A, %dma_wait3A_146] : memref<128x128xf32, #tpu.memory_space<vmem>> -> memref<1x128xf32, #tpu.memory_space<vmem>>
      %dma_wait3A_148 = tpu.memref_squeeze %dma_wait3A_147 : memref<1x128xf32, #tpu.memory_space<vmem>> -> memref<128xf32, #tpu.memory_space<vmem>>
      %dma_wait3A_149 = tpu.memref_slice %arg13[%add3A_58] : memref<10240xf32, #tpu.memory_space<vmem_shared>> -> memref<128xf32, #tpu.memory_space<vmem_shared>>
      %dma_wait3A_150 = tpu.memref_slice %arg13[%add3A_58] : memref<10240xf32, #tpu.memory_space<vmem_shared>> -> memref<128xf32, #tpu.memory_space<vmem_shared>>
      %dma_wait3A_151 = arith.constant 0 : i32
      %dma_wait3A_152 = tpu.memref_slice %arg9[%run_scoped3A, %dma_wait3A_151] : memref<128x128xf32, #tpu.memory_space<vmem>> -> memref<1x128xf32, #tpu.memory_space<vmem>>
      %dma_wait3A_153 = tpu.memref_squeeze %dma_wait3A_152 : memref<1x128xf32, #tpu.memory_space<vmem>> -> memref<128xf32, #tpu.memory_space<vmem>>
      tpu.wait_dma2 semaphore(%run_scoped3A_137 : memref<!tpu.dma_semaphore, #tpu.memory_space<semaphore_mem>>) src(%dma_wait3A_153 : memref<128xf32, #tpu.memory_space<vmem>>) dst(%dma_wait3A_150 : memref<128xf32, #tpu.memory_space<vmem_shared>>)
      tpu.yield
    }) : () -> ()
    %add3A_59 = arith.constant 128 : i32
    %add3A_60 = arith.addi %mul3A_54, %add3A_59 : i32
    "tpu.region"() ({
      %run_scoped3A_137 = tpu.sem_alloc : memref<!tpu.dma_semaphore, #tpu.memory_space<semaphore_mem>>
      %dma_start3A_138 = arith.constant 0 : i32
      %dma_start3A_139 = tpu.memref_slice %arg11[%add3A_60, %dma_start3A_138] : memref<10240x128xf32, #tpu.memory_space<vmem_shared>> -> memref<128x128xf32, #tpu.memory_space<vmem_shared>>
      %dma_start3A_140 = arith.constant 0 : i32
      %dma_start3A_141 = tpu.memref_slice %arg11[%add3A_60, %dma_start3A_140] : memref<10240x128xf32, #tpu.memory_space<vmem_shared>> -> memref<128x128xf32, #tpu.memory_space<vmem_shared>>
      tpu.enqueue_dma source(%arg9 : memref<128x128xf32, #tpu.memory_space<vmem>>) target(%dma_start3A_141 : memref<128x128xf32, #tpu.memory_space<vmem_shared>>) target_semaphore(%run_scoped3A_137 : memref<!tpu.dma_semaphore, #tpu.memory_space<semaphore_mem>>)
      %dma_wait3A_142 = arith.constant 0 : i32
      %dma_wait3A_143 = tpu.memref_slice %arg11[%add3A_60, %dma_wait3A_142] : memref<10240x128xf32, #tpu.memory_space<vmem_shared>> -> memref<128x128xf32, #tpu.memory_space<vmem_shared>>
      %dma_wait3A_144 = arith.constant 0 : i32
      %dma_wait3A_145 = tpu.memref_slice %arg11[%add3A_60, %dma_wait3A_144] : memref<10240x128xf32, #tpu.memory_space<vmem_shared>> -> memref<128x128xf32, #tpu.memory_space<vmem_shared>>
      tpu.wait_dma2 semaphore(%run_scoped3A_137 : memref<!tpu.dma_semaphore, #tpu.memory_space<semaphore_mem>>) src(%arg9 : memref<128x128xf32, #tpu.memory_space<vmem>>) dst(%dma_wait3A_145 : memref<128x128xf32, #tpu.memory_space<vmem_shared>>)
      tpu.yield
    }) : () -> ()
    %add3A_61 = arith.constant 128 : i32
    %add3A_62 = arith.addi %mul3A_54, %add3A_61 : i32
    %run_scoped3A_63 = arith.constant 0 : i32
    "tpu.region"() ({
      %run_scoped3A_137 = tpu.sem_alloc : memref<!tpu.dma_semaphore, #tpu.memory_space<semaphore_mem>>
      %dma_start3A_138 = arith.constant 0 : i32
      %dma_start3A_139 = tpu.memref_slice %arg9[%run_scoped3A_63, %dma_start3A_138] : memref<128x128xf32, #tpu.memory_space<vmem>> -> memref<1x128xf32, #tpu.memory_space<vmem>>
      %dma_start3A_140 = tpu.memref_squeeze %dma_start3A_139 : memref<1x128xf32, #tpu.memory_space<vmem>> -> memref<128xf32, #tpu.memory_space<vmem>>
      %dma_start3A_141 = tpu.memref_slice %arg13[%add3A_62] : memref<10240xf32, #tpu.memory_space<vmem_shared>> -> memref<128xf32, #tpu.memory_space<vmem_shared>>
      %dma_start3A_142 = tpu.memref_slice %arg13[%add3A_62] : memref<10240xf32, #tpu.memory_space<vmem_shared>> -> memref<128xf32, #tpu.memory_space<vmem_shared>>
      %dma_start3A_143 = arith.constant 0 : i32
      %dma_start3A_144 = tpu.memref_slice %arg9[%run_scoped3A_63, %dma_start3A_143] : memref<128x128xf32, #tpu.memory_space<vmem>> -> memref<1x128xf32, #tpu.memory_space<vmem>>
      %dma_start3A_145 = tpu.memref_squeeze %dma_start3A_144 : memref<1x128xf32, #tpu.memory_space<vmem>> -> memref<128xf32, #tpu.memory_space<vmem>>
      tpu.enqueue_dma source(%dma_start3A_145 : memref<128xf32, #tpu.memory_space<vmem>>) target(%dma_start3A_142 : memref<128xf32, #tpu.memory_space<vmem_shared>>) target_semaphore(%run_scoped3A_137 : memref<!tpu.dma_semaphore, #tpu.memory_space<semaphore_mem>>)
      %dma_wait3A_146 = arith.constant 0 : i32
      %dma_wait3A_147 = tpu.memref_slice %arg9[%run_scoped3A_63, %dma_wait3A_146] : memref<128x128xf32, #tpu.memory_space<vmem>> -> memref<1x128xf32, #tpu.memory_space<vmem>>
      %dma_wait3A_148 = tpu.memref_squeeze %dma_wait3A_147 : memref<1x128xf32, #tpu.memory_space<vmem>> -> memref<128xf32, #tpu.memory_space<vmem>>
      %dma_wait3A_149 = tpu.memref_slice %arg13[%add3A_62] : memref<10240xf32, #tpu.memory_space<vmem_shared>> -> memref<128xf32, #tpu.memory_space<vmem_shared>>
      %dma_wait3A_150 = tpu.memref_slice %arg13[%add3A_62] : memref<10240xf32, #tpu.memory_space<vmem_shared>> -> memref<128xf32, #tpu.memory_space<vmem_shared>>
      %dma_wait3A_151 = arith.constant 0 : i32
      %dma_wait3A_152 = tpu.memref_slice %arg9[%run_scoped3A_63, %dma_wait3A_151] : memref<128x128xf32, #tpu.memory_space<vmem>> -> memref<1x128xf32, #tpu.memory_space<vmem>>
      %dma_wait3A_153 = tpu.memref_squeeze %dma_wait3A_152 : memref<1x128xf32, #tpu.memory_space<vmem>> -> memref<128xf32, #tpu.memory_space<vmem>>
      tpu.wait_dma2 semaphore(%run_scoped3A_137 : memref<!tpu.dma_semaphore, #tpu.memory_space<semaphore_mem>>) src(%dma_wait3A_153 : memref<128xf32, #tpu.memory_space<vmem>>) dst(%dma_wait3A_150 : memref<128xf32, #tpu.memory_space<vmem_shared>>)
      tpu.yield
    }) : () -> ()
    %add3A_64 = arith.constant 256 : i32
    %add3A_65 = arith.addi %mul3A_54, %add3A_64 : i32
    "tpu.region"() ({
      %run_scoped3A_137 = tpu.sem_alloc : memref<!tpu.dma_semaphore, #tpu.memory_space<semaphore_mem>>
      %dma_start3A_138 = arith.constant 0 : i32
      %dma_start3A_139 = tpu.memref_slice %arg11[%add3A_65, %dma_start3A_138] : memref<10240x128xf32, #tpu.memory_space<vmem_shared>> -> memref<128x128xf32, #tpu.memory_space<vmem_shared>>
      %dma_start3A_140 = arith.constant 0 : i32
      %dma_start3A_141 = tpu.memref_slice %arg11[%add3A_65, %dma_start3A_140] : memref<10240x128xf32, #tpu.memory_space<vmem_shared>> -> memref<128x128xf32, #tpu.memory_space<vmem_shared>>
      tpu.enqueue_dma source(%arg9 : memref<128x128xf32, #tpu.memory_space<vmem>>) target(%dma_start3A_141 : memref<128x128xf32, #tpu.memory_space<vmem_shared>>) target_semaphore(%run_scoped3A_137 : memref<!tpu.dma_semaphore, #tpu.memory_space<semaphore_mem>>)
      %dma_wait3A_142 = arith.constant 0 : i32
      %dma_wait3A_143 = tpu.memref_slice %arg11[%add3A_65, %dma_wait3A_142] : memref<10240x128xf32, #tpu.memory_space<vmem_shared>> -> memref<128x128xf32, #tpu.memory_space<vmem_shared>>
      %dma_wait3A_144 = arith.constant 0 : i32
      %dma_wait3A_145 = tpu.memref_slice %arg11[%add3A_65, %dma_wait3A_144] : memref<10240x128xf32, #tpu.memory_space<vmem_shared>> -> memref<128x128xf32, #tpu.memory_space<vmem_shared>>
      tpu.wait_dma2 semaphore(%run_scoped3A_137 : memref<!tpu.dma_semaphore, #tpu.memory_space<semaphore_mem>>) src(%arg9 : memref<128x128xf32, #tpu.memory_space<vmem>>) dst(%dma_wait3A_145 : memref<128x128xf32, #tpu.memory_space<vmem_shared>>)
      tpu.yield
    }) : () -> ()
    %add3A_66 = arith.constant 256 : i32
    %add3A_67 = arith.addi %mul3A_54, %add3A_66 : i32
    %run_scoped3A_68 = arith.constant 0 : i32
    "tpu.region"() ({
      %run_scoped3A_137 = tpu.sem_alloc : memref<!tpu.dma_semaphore, #tpu.memory_space<semaphore_mem>>
      %dma_start3A_138 = arith.constant 0 : i32
      %dma_start3A_139 = tpu.memref_slice %arg9[%run_scoped3A_68, %dma_start3A_138] : memref<128x128xf32, #tpu.memory_space<vmem>> -> memref<1x128xf32, #tpu.memory_space<vmem>>
      %dma_start3A_140 = tpu.memref_squeeze %dma_start3A_139 : memref<1x128xf32, #tpu.memory_space<vmem>> -> memref<128xf32, #tpu.memory_space<vmem>>
      %dma_start3A_141 = tpu.memref_slice %arg13[%add3A_67] : memref<10240xf32, #tpu.memory_space<vmem_shared>> -> memref<128xf32, #tpu.memory_space<vmem_shared>>
      %dma_start3A_142 = tpu.memref_slice %arg13[%add3A_67] : memref<10240xf32, #tpu.memory_space<vmem_shared>> -> memref<128xf32, #tpu.memory_space<vmem_shared>>
      %dma_start3A_143 = arith.constant 0 : i32
      %dma_start3A_144 = tpu.memref_slice %arg9[%run_scoped3A_68, %dma_start3A_143] : memref<128x128xf32, #tpu.memory_space<vmem>> -> memref<1x128xf32, #tpu.memory_space<vmem>>
      %dma_start3A_145 = tpu.memref_squeeze %dma_start3A_144 : memref<1x128xf32, #tpu.memory_space<vmem>> -> memref<128xf32, #tpu.memory_space<vmem>>
      tpu.enqueue_dma source(%dma_start3A_145 : memref<128xf32, #tpu.memory_space<vmem>>) target(%dma_start3A_142 : memref<128xf32, #tpu.memory_space<vmem_shared>>) target_semaphore(%run_scoped3A_137 : memref<!tpu.dma_semaphore, #tpu.memory_space<semaphore_mem>>)
      %dma_wait3A_146 = arith.constant 0 : i32
      %dma_wait3A_147 = tpu.memref_slice %arg9[%run_scoped3A_68, %dma_wait3A_146] : memref<128x128xf32, #tpu.memory_space<vmem>> -> memref<1x128xf32, #tpu.memory_space<vmem>>
      %dma_wait3A_148 = tpu.memref_squeeze %dma_wait3A_147 : memref<1x128xf32, #tpu.memory_space<vmem>> -> memref<128xf32, #tpu.memory_space<vmem>>
      %dma_wait3A_149 = tpu.memref_slice %arg13[%add3A_67] : memref<10240xf32, #tpu.memory_space<vmem_shared>> -> memref<128xf32, #tpu.memory_space<vmem_shared>>
      %dma_wait3A_150 = tpu.memref_slice %arg13[%add3A_67] : memref<10240xf32, #tpu.memory_space<vmem_shared>> -> memref<128xf32, #tpu.memory_space<vmem_shared>>
      %dma_wait3A_151 = arith.constant 0 : i32
      %dma_wait3A_152 = tpu.memref_slice %arg9[%run_scoped3A_68, %dma_wait3A_151] : memref<128x128xf32, #tpu.memory_space<vmem>> -> memref<1x128xf32, #tpu.memory_space<vmem>>
      %dma_wait3A_153 = tpu.memref_squeeze %dma_wait3A_152 : memref<1x128xf32, #tpu.memory_space<vmem>> -> memref<128xf32, #tpu.memory_space<vmem>>
      tpu.wait_dma2 semaphore(%run_scoped3A_137 : memref<!tpu.dma_semaphore, #tpu.memory_space<semaphore_mem>>) src(%dma_wait3A_153 : memref<128xf32, #tpu.memory_space<vmem>>) dst(%dma_wait3A_150 : memref<128xf32, #tpu.memory_space<vmem_shared>>)
      tpu.yield
    }) : () -> ()
    %add3A_69 = arith.constant 384 : i32
    %add3A_70 = arith.addi %mul3A_54, %add3A_69 : i32
    "tpu.region"() ({
      %run_scoped3A_137 = tpu.sem_alloc : memref<!tpu.dma_semaphore, #tpu.memory_space<semaphore_mem>>
      %dma_start3A_138 = arith.constant 0 : i32
      %dma_start3A_139 = tpu.memref_slice %arg11[%add3A_70, %dma_start3A_138] : memref<10240x128xf32, #tpu.memory_space<vmem_shared>> -> memref<128x128xf32, #tpu.memory_space<vmem_shared>>
      %dma_start3A_140 = arith.constant 0 : i32
      %dma_start3A_141 = tpu.memref_slice %arg11[%add3A_70, %dma_start3A_140] : memref<10240x128xf32, #tpu.memory_space<vmem_shared>> -> memref<128x128xf32, #tpu.memory_space<vmem_shared>>
      tpu.enqueue_dma source(%arg9 : memref<128x128xf32, #tpu.memory_space<vmem>>) target(%dma_start3A_141 : memref<128x128xf32, #tpu.memory_space<vmem_shared>>) target_semaphore(%run_scoped3A_137 : memref<!tpu.dma_semaphore, #tpu.memory_space<semaphore_mem>>)
      %dma_wait3A_142 = arith.constant 0 : i32
      %dma_wait3A_143 = tpu.memref_slice %arg11[%add3A_70, %dma_wait3A_142] : memref<10240x128xf32, #tpu.memory_space<vmem_shared>> -> memref<128x128xf32, #tpu.memory_space<vmem_shared>>
      %dma_wait3A_144 = arith.constant 0 : i32
      %dma_wait3A_145 = tpu.memref_slice %arg11[%add3A_70, %dma_wait3A_144] : memref<10240x128xf32, #tpu.memory_space<vmem_shared>> -> memref<128x128xf32, #tpu.memory_space<vmem_shared>>
      tpu.wait_dma2 semaphore(%run_scoped3A_137 : memref<!tpu.dma_semaphore, #tpu.memory_space<semaphore_mem>>) src(%arg9 : memref<128x128xf32, #tpu.memory_space<vmem>>) dst(%dma_wait3A_145 : memref<128x128xf32, #tpu.memory_space<vmem_shared>>)
      tpu.yield
    }) : () -> ()
    %add3A_71 = arith.constant 384 : i32
    %add3A_72 = arith.addi %mul3A_54, %add3A_71 : i32
    %run_scoped3A_73 = arith.constant 0 : i32
    "tpu.region"() ({
      %run_scoped3A_137 = tpu.sem_alloc : memref<!tpu.dma_semaphore, #tpu.memory_space<semaphore_mem>>
      %dma_start3A_138 = arith.constant 0 : i32
      %dma_start3A_139 = tpu.memref_slice %arg9[%run_scoped3A_73, %dma_start3A_138] : memref<128x128xf32, #tpu.memory_space<vmem>> -> memref<1x128xf32, #tpu.memory_space<vmem>>
      %dma_start3A_140 = tpu.memref_squeeze %dma_start3A_139 : memref<1x128xf32, #tpu.memory_space<vmem>> -> memref<128xf32, #tpu.memory_space<vmem>>
      %dma_start3A_141 = tpu.memref_slice %arg13[%add3A_72] : memref<10240xf32, #tpu.memory_space<vmem_shared>> -> memref<128xf32, #tpu.memory_space<vmem_shared>>
      %dma_start3A_142 = tpu.memref_slice %arg13[%add3A_72] : memref<10240xf32, #tpu.memory_space<vmem_shared>> -> memref<128xf32, #tpu.memory_space<vmem_shared>>
      %dma_start3A_143 = arith.constant 0 : i32
      %dma_start3A_144 = tpu.memref_slice %arg9[%run_scoped3A_73, %dma_start3A_143] : memref<128x128xf32, #tpu.memory_space<vmem>> -> memref<1x128xf32, #tpu.memory_space<vmem>>
      %dma_start3A_145 = tpu.memref_squeeze %dma_start3A_144 : memref<1x128xf32, #tpu.memory_space<vmem>> -> memref<128xf32, #tpu.memory_space<vmem>>
      tpu.enqueue_dma source(%dma_start3A_145 : memref<128xf32, #tpu.memory_space<vmem>>) target(%dma_start3A_142 : memref<128xf32, #tpu.memory_space<vmem_shared>>) target_semaphore(%run_scoped3A_137 : memref<!tpu.dma_semaphore, #tpu.memory_space<semaphore_mem>>)
      %dma_wait3A_146 = arith.constant 0 : i32
      %dma_wait3A_147 = tpu.memref_slice %arg9[%run_scoped3A_73, %dma_wait3A_146] : memref<128x128xf32, #tpu.memory_space<vmem>> -> memref<1x128xf32, #tpu.memory_space<vmem>>
      %dma_wait3A_148 = tpu.memref_squeeze %dma_wait3A_147 : memref<1x128xf32, #tpu.memory_space<vmem>> -> memref<128xf32, #tpu.memory_space<vmem>>
      %dma_wait3A_149 = tpu.memref_slice %arg13[%add3A_72] : memref<10240xf32, #tpu.memory_space<vmem_shared>> -> memref<128xf32, #tpu.memory_space<vmem_shared>>
      %dma_wait3A_150 = tpu.memref_slice %arg13[%add3A_72] : memref<10240xf32, #tpu.memory_space<vmem_shared>> -> memref<128xf32, #tpu.memory_space<vmem_shared>>
      %dma_wait3A_151 = arith.constant 0 : i32
      %dma_wait3A_152 = tpu.memref_slice %arg9[%run_scoped3A_73, %dma_wait3A_151] : memref<128x128xf32, #tpu.memory_space<vmem>> -> memref<1x128xf32, #tpu.memory_space<vmem>>
      %dma_wait3A_153 = tpu.memref_squeeze %dma_wait3A_152 : memref<1x128xf32, #tpu.memory_space<vmem>> -> memref<128xf32, #tpu.memory_space<vmem>>
      tpu.wait_dma2 semaphore(%run_scoped3A_137 : memref<!tpu.dma_semaphore, #tpu.memory_space<semaphore_mem>>) src(%dma_wait3A_153 : memref<128xf32, #tpu.memory_space<vmem>>) dst(%dma_wait3A_150 : memref<128xf32, #tpu.memory_space<vmem_shared>>)
      tpu.yield
    }) : () -> ()
    %add3A_74 = arith.constant 512 : i32
    %add3A_75 = arith.addi %mul3A_54, %add3A_74 : i32
    "tpu.region"() ({
      %run_scoped3A_137 = tpu.sem_alloc : memref<!tpu.dma_semaphore, #tpu.memory_space<semaphore_mem>>
      %dma_start3A_138 = arith.constant 0 : i32
      %dma_start3A_139 = tpu.memref_slice %arg11[%add3A_75, %dma_start3A_138] : memref<10240x128xf32, #tpu.memory_space<vmem_shared>> -> memref<128x128xf32, #tpu.memory_space<vmem_shared>>
      %dma_start3A_140 = arith.constant 0 : i32
      %dma_start3A_141 = tpu.memref_slice %arg11[%add3A_75, %dma_start3A_140] : memref<10240x128xf32, #tpu.memory_space<vmem_shared>> -> memref<128x128xf32, #tpu.memory_space<vmem_shared>>
      tpu.enqueue_dma source(%arg9 : memref<128x128xf32, #tpu.memory_space<vmem>>) target(%dma_start3A_141 : memref<128x128xf32, #tpu.memory_space<vmem_shared>>) target_semaphore(%run_scoped3A_137 : memref<!tpu.dma_semaphore, #tpu.memory_space<semaphore_mem>>)
      %dma_wait3A_142 = arith.constant 0 : i32
      %dma_wait3A_143 = tpu.memref_slice %arg11[%add3A_75, %dma_wait3A_142] : memref<10240x128xf32, #tpu.memory_space<vmem_shared>> -> memref<128x128xf32, #tpu.memory_space<vmem_shared>>
      %dma_wait3A_144 = arith.constant 0 : i32
      %dma_wait3A_145 = tpu.memref_slice %arg11[%add3A_75, %dma_wait3A_144] : memref<10240x128xf32, #tpu.memory_space<vmem_shared>> -> memref<128x128xf32, #tpu.memory_space<vmem_shared>>
      tpu.wait_dma2 semaphore(%run_scoped3A_137 : memref<!tpu.dma_semaphore, #tpu.memory_space<semaphore_mem>>) src(%arg9 : memref<128x128xf32, #tpu.memory_space<vmem>>) dst(%dma_wait3A_145 : memref<128x128xf32, #tpu.memory_space<vmem_shared>>)
      tpu.yield
    }) : () -> ()
    %add3A_76 = arith.constant 512 : i32
    %add3A_77 = arith.addi %mul3A_54, %add3A_76 : i32
    %run_scoped3A_78 = arith.constant 0 : i32
    "tpu.region"() ({
      %run_scoped3A_137 = tpu.sem_alloc : memref<!tpu.dma_semaphore, #tpu.memory_space<semaphore_mem>>
      %dma_start3A_138 = arith.constant 0 : i32
      %dma_start3A_139 = tpu.memref_slice %arg9[%run_scoped3A_78, %dma_start3A_138] : memref<128x128xf32, #tpu.memory_space<vmem>> -> memref<1x128xf32, #tpu.memory_space<vmem>>
      %dma_start3A_140 = tpu.memref_squeeze %dma_start3A_139 : memref<1x128xf32, #tpu.memory_space<vmem>> -> memref<128xf32, #tpu.memory_space<vmem>>
      %dma_start3A_141 = tpu.memref_slice %arg13[%add3A_77] : memref<10240xf32, #tpu.memory_space<vmem_shared>> -> memref<128xf32, #tpu.memory_space<vmem_shared>>
      %dma_start3A_142 = tpu.memref_slice %arg13[%add3A_77] : memref<10240xf32, #tpu.memory_space<vmem_shared>> -> memref<128xf32, #tpu.memory_space<vmem_shared>>
      %dma_start3A_143 = arith.constant 0 : i32
      %dma_start3A_144 = tpu.memref_slice %arg9[%run_scoped3A_78, %dma_start3A_143] : memref<128x128xf32, #tpu.memory_space<vmem>> -> memref<1x128xf32, #tpu.memory_space<vmem>>
      %dma_start3A_145 = tpu.memref_squeeze %dma_start3A_144 : memref<1x128xf32, #tpu.memory_space<vmem>> -> memref<128xf32, #tpu.memory_space<vmem>>
      tpu.enqueue_dma source(%dma_start3A_145 : memref<128xf32, #tpu.memory_space<vmem>>) target(%dma_start3A_142 : memref<128xf32, #tpu.memory_space<vmem_shared>>) target_semaphore(%run_scoped3A_137 : memref<!tpu.dma_semaphore, #tpu.memory_space<semaphore_mem>>)
      %dma_wait3A_146 = arith.constant 0 : i32
      %dma_wait3A_147 = tpu.memref_slice %arg9[%run_scoped3A_78, %dma_wait3A_146] : memref<128x128xf32, #tpu.memory_space<vmem>> -> memref<1x128xf32, #tpu.memory_space<vmem>>
      %dma_wait3A_148 = tpu.memref_squeeze %dma_wait3A_147 : memref<1x128xf32, #tpu.memory_space<vmem>> -> memref<128xf32, #tpu.memory_space<vmem>>
      %dma_wait3A_149 = tpu.memref_slice %arg13[%add3A_77] : memref<10240xf32, #tpu.memory_space<vmem_shared>> -> memref<128xf32, #tpu.memory_space<vmem_shared>>
      %dma_wait3A_150 = tpu.memref_slice %arg13[%add3A_77] : memref<10240xf32, #tpu.memory_space<vmem_shared>> -> memref<128xf32, #tpu.memory_space<vmem_shared>>
      %dma_wait3A_151 = arith.constant 0 : i32
      %dma_wait3A_152 = tpu.memref_slice %arg9[%run_scoped3A_78, %dma_wait3A_151] : memref<128x128xf32, #tpu.memory_space<vmem>> -> memref<1x128xf32, #tpu.memory_space<vmem>>
      %dma_wait3A_153 = tpu.memref_squeeze %dma_wait3A_152 : memref<1x128xf32, #tpu.memory_space<vmem>> -> memref<128xf32, #tpu.memory_space<vmem>>
      tpu.wait_dma2 semaphore(%run_scoped3A_137 : memref<!tpu.dma_semaphore, #tpu.memory_space<semaphore_mem>>) src(%dma_wait3A_153 : memref<128xf32, #tpu.memory_space<vmem>>) dst(%dma_wait3A_150 : memref<128xf32, #tpu.memory_space<vmem_shared>>)
      tpu.yield
    }) : () -> ()
    %eq3A = arith.constant 0 : i32
    %eq3A_79 = arith.cmpi eq, %arg1, %eq3A : i32
    %convert_element_type3A = arith.extui %eq3A_79 : i1 to i32
    %cond3A = arith.constant 0 : i32
    %cond3A_80 = arith.cmpi ne, %convert_element_type3A, %cond3A : i32
    scf.if %cond3A_80 {
      "tpu.region"() ({
        %run_scoped3A_137 = tpu.sem_alloc : memref<!tpu.dma_semaphore, #tpu.memory_space<semaphore_mem>>
        tpu.enqueue_dma source(%arg3 : memref<208x128xf32, #tpu.memory_space<hbm>>) target(%arg12 : memref<208x128xf32, #tpu.memory_space<vmem_shared>>) target_semaphore(%run_scoped3A_137 : memref<!tpu.dma_semaphore, #tpu.memory_space<semaphore_mem>>)
        tpu.wait_dma2 semaphore(%run_scoped3A_137 : memref<!tpu.dma_semaphore, #tpu.memory_space<semaphore_mem>>) src(%arg3 : memref<208x128xf32, #tpu.memory_space<hbm>>) dst(%arg12 : memref<208x128xf32, #tpu.memory_space<vmem_shared>>)
        tpu.yield
      }) : () -> ()
    } else {
    }
    %barrier3A = arith.constant 0 : index
    tpu.barrier barrier_id(%barrier3A)
    %dma_start3A = arith.constant 0 : i32
    %dma_start3A_81 = arith.constant 0 : i32
    %dma_start3A_82 = arith.constant 0 : i32
    %dma_start3A_83 = arith.constant 0 : i32
    %dma_start3A_84 = tpu.memref_slice %arg7[%dma_start3A, %dma_start3A_81, %dma_start3A_82, %dma_start3A_83] : memref<2x8x3x128xi32, #tpu.memory_space<vmem>> -> memref<1x8x3x128xi32, #tpu.memory_space<vmem>>
    %dma_start3A_85 = tpu.memref_squeeze %dma_start3A_84 : memref<1x8x3x128xi32, #tpu.memory_space<vmem>> -> memref<8x3x128xi32, #tpu.memory_space<vmem>>
    %dma_start3A_86 = arith.constant 0 : i32
    %dma_start3A_87 = arith.constant 0 : i32
    %dma_start3A_88 = arith.constant 0 : i32
    %dma_start3A_89 = tpu.memref_slice %arg4[%add3A, %dma_start3A_86, %dma_start3A_87, %dma_start3A_88] : memref<32x168x3x128xi32, #tpu.memory_space<hbm>> -> memref<1x8x3x128xi32, #tpu.memory_space<hbm>>
    %dma_start3A_90 = tpu.memref_squeeze %dma_start3A_89 : memref<1x8x3x128xi32, #tpu.memory_space<hbm>> -> memref<8x3x128xi32, #tpu.memory_space<hbm>>
    %dma_start3A_91 = arith.constant 0 : i32
    %dma_start3A_92 = arith.constant 0 : i32
    %dma_start3A_93 = arith.constant 0 : i32
    %dma_start3A_94 = tpu.memref_slice %arg7[%dma_start3A, %dma_start3A_91, %dma_start3A_92, %dma_start3A_93] : memref<2x8x3x128xi32, #tpu.memory_space<vmem>> -> memref<1x8x3x128xi32, #tpu.memory_space<vmem>>
    %dma_start3A_95 = tpu.memref_squeeze %dma_start3A_94 : memref<1x8x3x128xi32, #tpu.memory_space<vmem>> -> memref<8x3x128xi32, #tpu.memory_space<vmem>>
    %dma_start3A_96 = arith.constant 0 : i32
    %dma_start3A_97 = arith.constant 0 : i32
    %dma_start3A_98 = arith.constant 0 : i32
    %dma_start3A_99 = tpu.memref_slice %arg4[%add3A, %dma_start3A_96, %dma_start3A_97, %dma_start3A_98] : memref<32x168x3x128xi32, #tpu.memory_space<hbm>> -> memref<1x8x3x128xi32, #tpu.memory_space<hbm>>
    %dma_start3A_100 = tpu.memref_squeeze %dma_start3A_99 : memref<1x8x3x128xi32, #tpu.memory_space<hbm>> -> memref<8x3x128xi32, #tpu.memory_space<hbm>>
    tpu.enqueue_dma source(%dma_start3A_100 : memref<8x3x128xi32, #tpu.memory_space<hbm>>) target(%dma_start3A_95 : memref<8x3x128xi32, #tpu.memory_space<vmem>>) target_semaphore(%arg19 : memref<!tpu.dma_semaphore, #tpu.memory_space<semaphore_mem>>)
    %scan3A_101 = arith.constant 0 : i32
    %scan3A_102 = arith.constant 0 : i32
    %scan3A_103 = arith.constant 20 : i32
    %scan3A_104 = arith.addi %scan3A_102, %scan3A_103 : i32
    %scan3A_105 = arith.constant 1 : i32
    %scan3A_106 = scf.for %scan3A_137 = %scan3A_102 to %scan3A_104 step %scan3A_105 iter_args(%scan3A_138 = %scan3A_101) -> (i32)  : i32 {
      %rem3A_139 = arith.constant 2 : i32
      %rem3A_140 = arith.remsi %scan3A_137, %rem3A_139 : i32
      %mul3A_141 = arith.constant 8 : i32
      %mul3A_142 = arith.muli %scan3A_137, %mul3A_141 : i32
      %dma_wait3A_143 = arith.constant 0 : i32
      %dma_wait3A_144 = arith.constant 0 : i32
      %dma_wait3A_145 = arith.constant 0 : i32
      %dma_wait3A_146 = tpu.memref_slice %arg7[%rem3A_140, %dma_wait3A_143, %dma_wait3A_144, %dma_wait3A_145] : memref<2x8x3x128xi32, #tpu.memory_space<vmem>> -> memref<1x8x3x128xi32, #tpu.memory_space<vmem>>
      %dma_wait3A_147 = tpu.memref_squeeze %dma_wait3A_146 : memref<1x8x3x128xi32, #tpu.memory_space<vmem>> -> memref<8x3x128xi32, #tpu.memory_space<vmem>>
      %dma_wait3A_148 = arith.constant 0 : i32
      %dma_wait3A_149 = arith.constant 0 : i32
      %dma_wait3A_150 = tpu.memref_slice %arg4[%add3A, %mul3A_142, %dma_wait3A_148, %dma_wait3A_149] : memref<32x168x3x128xi32, #tpu.memory_space<hbm>> -> memref<1x8x3x128xi32, #tpu.memory_space<hbm>>
      %dma_wait3A_151 = tpu.memref_squeeze %dma_wait3A_150 : memref<1x8x3x128xi32, #tpu.memory_space<hbm>> -> memref<8x3x128xi32, #tpu.memory_space<hbm>>
      %dma_wait3A_152 = arith.constant 0 : i32
      %dma_wait3A_153 = arith.constant 0 : i32
      %dma_wait3A_154 = arith.constant 0 : i32
      %dma_wait3A_155 = tpu.memref_slice %arg7[%rem3A_140, %dma_wait3A_152, %dma_wait3A_153, %dma_wait3A_154] : memref<2x8x3x128xi32, #tpu.memory_space<vmem>> -> memref<1x8x3x128xi32, #tpu.memory_space<vmem>>
      %dma_wait3A_156 = tpu.memref_squeeze %dma_wait3A_155 : memref<1x8x3x128xi32, #tpu.memory_space<vmem>> -> memref<8x3x128xi32, #tpu.memory_space<vmem>>
      %dma_wait3A_157 = arith.constant 0 : i32
      %dma_wait3A_158 = arith.constant 0 : i32
      %dma_wait3A_159 = tpu.memref_slice %arg4[%add3A, %mul3A_142, %dma_wait3A_157, %dma_wait3A_158] : memref<32x168x3x128xi32, #tpu.memory_space<hbm>> -> memref<1x8x3x128xi32, #tpu.memory_space<hbm>>
      %dma_wait3A_160 = tpu.memref_squeeze %dma_wait3A_159 : memref<1x8x3x128xi32, #tpu.memory_space<hbm>> -> memref<8x3x128xi32, #tpu.memory_space<hbm>>
      tpu.wait_dma2 semaphore(%arg19 : memref<!tpu.dma_semaphore, #tpu.memory_space<semaphore_mem>>) src(%dma_wait3A_160 : memref<8x3x128xi32, #tpu.memory_space<hbm>>) dst(%dma_wait3A_156 : memref<8x3x128xi32, #tpu.memory_space<vmem>>)
      %add3A_161 = arith.constant 1 : i32
      %add3A_162 = arith.addi %scan3A_137, %add3A_161 : i32
      %mul3A_163 = arith.constant 8 : i32
      %mul3A_164 = arith.muli %add3A_162, %mul3A_163 : i32
      %sub3A = arith.constant 1 : i32
      %sub3A_165 = arith.subi %sub3A, %rem3A_140 : i32
      %dma_start3A_166 = arith.constant 0 : i32
      %dma_start3A_167 = arith.constant 0 : i32
      %dma_start3A_168 = arith.constant 0 : i32
      %dma_start3A_169 = tpu.memref_slice %arg7[%sub3A_165, %dma_start3A_166, %dma_start3A_167, %dma_start3A_168] : memref<2x8x3x128xi32, #tpu.memory_space<vmem>> -> memref<1x8x3x128xi32, #tpu.memory_space<vmem>>
      %dma_start3A_170 = tpu.memref_squeeze %dma_start3A_169 : memref<1x8x3x128xi32, #tpu.memory_space<vmem>> -> memref<8x3x128xi32, #tpu.memory_space<vmem>>
      %dma_start3A_171 = arith.constant 0 : i32
      %dma_start3A_172 = arith.constant 0 : i32
      %dma_start3A_173 = tpu.memref_slice %arg4[%add3A, %mul3A_164, %dma_start3A_171, %dma_start3A_172] : memref<32x168x3x128xi32, #tpu.memory_space<hbm>> -> memref<1x8x3x128xi32, #tpu.memory_space<hbm>>
      %dma_start3A_174 = tpu.memref_squeeze %dma_start3A_173 : memref<1x8x3x128xi32, #tpu.memory_space<hbm>> -> memref<8x3x128xi32, #tpu.memory_space<hbm>>
      %dma_start3A_175 = arith.constant 0 : i32
      %dma_start3A_176 = arith.constant 0 : i32
      %dma_start3A_177 = arith.constant 0 : i32
      %dma_start3A_178 = tpu.memref_slice %arg7[%sub3A_165, %dma_start3A_175, %dma_start3A_176, %dma_start3A_177] : memref<2x8x3x128xi32, #tpu.memory_space<vmem>> -> memref<1x8x3x128xi32, #tpu.memory_space<vmem>>
      %dma_start3A_179 = tpu.memref_squeeze %dma_start3A_178 : memref<1x8x3x128xi32, #tpu.memory_space<vmem>> -> memref<8x3x128xi32, #tpu.memory_space<vmem>>
      %dma_start3A_180 = arith.constant 0 : i32
      %dma_start3A_181 = arith.constant 0 : i32
      %dma_start3A_182 = tpu.memref_slice %arg4[%add3A, %mul3A_164, %dma_start3A_180, %dma_start3A_181] : memref<32x168x3x128xi32, #tpu.memory_space<hbm>> -> memref<1x8x3x128xi32, #tpu.memory_space<hbm>>
      %dma_start3A_183 = tpu.memref_squeeze %dma_start3A_182 : memref<1x8x3x128xi32, #tpu.memory_space<hbm>> -> memref<8x3x128xi32, #tpu.memory_space<hbm>>
      tpu.enqueue_dma source(%dma_start3A_183 : memref<8x3x128xi32, #tpu.memory_space<hbm>>) target(%dma_start3A_179 : memref<8x3x128xi32, #tpu.memory_space<vmem>>) target_semaphore(%arg19 : memref<!tpu.dma_semaphore, #tpu.memory_space<semaphore_mem>>)
      %dma_start3A_184 = arith.constant 0 : i32
      %dma_start3A_185 = arith.constant 0 : i32
      %dma_start3A_186 = arith.constant 0 : i32
      %dma_start3A_187 = arith.constant 0 : i32
      %dma_start3A_188 = arith.constant 0 : i32
      %dma_start3A_189 = tpu.memref_slice %arg7[%rem3A_140, %dma_start3A_186, %dma_start3A_187, %dma_start3A_188] : memref<2x8x3x128xi32, #tpu.memory_space<vmem>> -> memref<1x8x3x128xi32, #tpu.memory_space<vmem>>
      %dma_start3A_190 = tpu.memref_squeeze %dma_start3A_189 : memref<1x8x3x128xi32, #tpu.memory_space<vmem>> -> memref<8x3x128xi32, #tpu.memory_space<vmem>>
      %dma_start3A_191 = arith.constant 0 : i32
      %dma_start3A_192 = tpu.memref_slice %dma_start3A_190[%dma_start3A_184, %dma_start3A_185, %dma_start3A_191] : memref<8x3x128xi32, #tpu.memory_space<vmem>> -> memref<1x1x128xi32, #tpu.memory_space<vmem>>
      %dma_start3A_193 = tpu.memref_squeeze %dma_start3A_192 : memref<1x1x128xi32, #tpu.memory_space<vmem>> -> memref<128xi32, #tpu.memory_space<vmem>>
      %dma_start3A_194 = arith.constant 0 : i32
      %dma_start3A_195 = arith.constant 0 : i32
      %dma_start3A_196 = tpu.memref_slice %arg2[%dma_start3A_194, %dma_start3A_195] : memref<10000x128xf32, #tpu.memory_space<hbm>> -> memref<10000x128xf32, #tpu.memory_space<hbm>>
      tpu.enqueue_indirect_dma source(%dma_start3A_196 : memref<10000x128xf32, #tpu.memory_space<hbm>>) target(%arg8 : memref<128x128xf32, #tpu.memory_space<vmem>>) offsets(%dma_start3A_193 : memref<128xi32, #tpu.memory_space<vmem>>) semaphore(%arg14 : memref<!tpu.dma_semaphore, #tpu.memory_space<semaphore_mem>>)
      %dma_start3A_197 = arith.constant 1 : i32
      %dma_start3A_198 = arith.constant 0 : i32
      %dma_start3A_199 = arith.constant 0 : i32
      %dma_start3A_200 = arith.constant 0 : i32
      %dma_start3A_201 = arith.constant 0 : i32
      %dma_start3A_202 = tpu.memref_slice %arg7[%rem3A_140, %dma_start3A_199, %dma_start3A_200, %dma_start3A_201] : memref<2x8x3x128xi32, #tpu.memory_space<vmem>> -> memref<1x8x3x128xi32, #tpu.memory_space<vmem>>
      %dma_start3A_203 = tpu.memref_squeeze %dma_start3A_202 : memref<1x8x3x128xi32, #tpu.memory_space<vmem>> -> memref<8x3x128xi32, #tpu.memory_space<vmem>>
      %dma_start3A_204 = arith.constant 0 : i32
      %dma_start3A_205 = tpu.memref_slice %dma_start3A_203[%dma_start3A_197, %dma_start3A_198, %dma_start3A_204] : memref<8x3x128xi32, #tpu.memory_space<vmem>> -> memref<1x1x128xi32, #tpu.memory_space<vmem>>
      %dma_start3A_206 = tpu.memref_squeeze %dma_start3A_205 : memref<1x1x128xi32, #tpu.memory_space<vmem>> -> memref<128xi32, #tpu.memory_space<vmem>>
      %dma_start3A_207 = arith.constant 0 : i32
      %dma_start3A_208 = arith.constant 0 : i32
      %dma_start3A_209 = tpu.memref_slice %arg12[%dma_start3A_207, %dma_start3A_208] : memref<208x128xf32, #tpu.memory_space<vmem_shared>> -> memref<208x128xf32, #tpu.memory_space<vmem_shared>>
      tpu.enqueue_indirect_dma source(%dma_start3A_209 : memref<208x128xf32, #tpu.memory_space<vmem_shared>>) target(%arg9 : memref<128x128xf32, #tpu.memory_space<vmem>>) offsets(%dma_start3A_206 : memref<128xi32, #tpu.memory_space<vmem>>) semaphore(%arg15 : memref<!tpu.dma_semaphore, #tpu.memory_space<semaphore_mem>>)
      %dma_wait3A_210 = arith.constant 0 : i32
      %dma_wait3A_211 = arith.constant 0 : i32
      %dma_wait3A_212 = arith.constant 0 : i32
      %dma_wait3A_213 = arith.constant 0 : i32
      %dma_wait3A_214 = arith.constant 0 : i32
      %dma_wait3A_215 = tpu.memref_slice %arg7[%rem3A_140, %dma_wait3A_212, %dma_wait3A_213, %dma_wait3A_214] : memref<2x8x3x128xi32, #tpu.memory_space<vmem>> -> memref<1x8x3x128xi32, #tpu.memory_space<vmem>>
      %dma_wait3A_216 = tpu.memref_squeeze %dma_wait3A_215 : memref<1x8x3x128xi32, #tpu.memory_space<vmem>> -> memref<8x3x128xi32, #tpu.memory_space<vmem>>
      %dma_wait3A_217 = arith.constant 0 : i32
      %dma_wait3A_218 = tpu.memref_slice %dma_wait3A_216[%dma_wait3A_210, %dma_wait3A_211, %dma_wait3A_217] : memref<8x3x128xi32, #tpu.memory_space<vmem>> -> memref<1x1x128xi32, #tpu.memory_space<vmem>>
      %dma_wait3A_219 = tpu.memref_squeeze %dma_wait3A_218 : memref<1x1x128xi32, #tpu.memory_space<vmem>> -> memref<128xi32, #tpu.memory_space<vmem>>
      %dma_wait3A_220 = arith.constant 0 : i32
      %dma_wait3A_221 = arith.constant 0 : i32
      %dma_wait3A_222 = tpu.memref_slice %arg2[%dma_wait3A_220, %dma_wait3A_221] : memref<10000x128xf32, #tpu.memory_space<hbm>> -> memref<10000x128xf32, #tpu.memory_space<hbm>>
      tpu.wait_indirect_dma semaphore(%arg14 : memref<!tpu.dma_semaphore, #tpu.memory_space<semaphore_mem>>) src(%dma_wait3A_222 : memref<10000x128xf32, #tpu.memory_space<hbm>>) dst(%arg8 : memref<128x128xf32, #tpu.memory_space<vmem>>)
      %dma_start3A_223 = arith.constant 0 : i32
      %dma_start3A_224 = arith.constant 1 : i32
      %dma_start3A_225 = arith.constant 0 : i32
      %dma_start3A_226 = arith.constant 0 : i32
      %dma_start3A_227 = arith.constant 0 : i32
      %dma_start3A_228 = tpu.memref_slice %arg7[%rem3A_140, %dma_start3A_225, %dma_start3A_226, %dma_start3A_227] : memref<2x8x3x128xi32, #tpu.memory_space<vmem>> -> memref<1x8x3x128xi32, #tpu.memory_space<vmem>>
      %dma_start3A_229 = tpu.memref_squeeze %dma_start3A_228 : memref<1x8x3x128xi32, #tpu.memory_space<vmem>> -> memref<8x3x128xi32, #tpu.memory_space<vmem>>
      %dma_start3A_230 = arith.constant 0 : i32
      %dma_start3A_231 = tpu.memref_slice %dma_start3A_229[%dma_start3A_223, %dma_start3A_224, %dma_start3A_230] : memref<8x3x128xi32, #tpu.memory_space<vmem>> -> memref<1x1x128xi32, #tpu.memory_space<vmem>>
      %dma_start3A_232 = tpu.memref_squeeze %dma_start3A_231 : memref<1x1x128xi32, #tpu.memory_space<vmem>> -> memref<128xi32, #tpu.memory_space<vmem>>
      %dma_start3A_233 = arith.constant 0 : i32
      %dma_start3A_234 = arith.constant 0 : i32
      %dma_start3A_235 = tpu.memref_slice %arg11[%dma_start3A_233, %dma_start3A_234] : memref<10240x128xf32, #tpu.memory_space<vmem_shared>> -> memref<10240x128xf32, #tpu.memory_space<vmem_shared>>
      tpu.enqueue_indirect_dma source(%arg8 : memref<128x128xf32, #tpu.memory_space<vmem>>) target(%dma_start3A_235 : memref<10240x128xf32, #tpu.memory_space<vmem_shared>>) offsets(%dma_start3A_232 : memref<128xi32, #tpu.memory_space<vmem>>) semaphore(%arg16 : memref<!tpu.dma_semaphore, #tpu.memory_space<semaphore_mem>>) {add = true}
      %dma_wait3A_236 = arith.constant 0 : i32
      %dma_wait3A_237 = arith.constant 1 : i32
      %dma_wait3A_238 = arith.constant 0 : i32
      %dma_wait3A_239 = arith.constant 0 : i32
      %dma_wait3A_240 = arith.constant 0 : i32
      %dma_wait3A_241 = tpu.memref_slice %arg7[%rem3A_140, %dma_wait3A_238, %dma_wait3A_239, %dma_wait3A_240] : memref<2x8x3x128xi32, #tpu.memory_space<vmem>> -> memref<1x8x3x128xi32, #tpu.memory_space<vmem>>
      %dma_wait3A_242 = tpu.memref_squeeze %dma_wait3A_241 : memref<1x8x3x128xi32, #tpu.memory_space<vmem>> -> memref<8x3x128xi32, #tpu.memory_space<vmem>>
      %dma_wait3A_243 = arith.constant 0 : i32
      %dma_wait3A_244 = tpu.memref_slice %dma_wait3A_242[%dma_wait3A_236, %dma_wait3A_237, %dma_wait3A_243] : memref<8x3x128xi32, #tpu.memory_space<vmem>> -> memref<1x1x128xi32, #tpu.memory_space<vmem>>
      %dma_wait3A_245 = tpu.memref_squeeze %dma_wait3A_244 : memref<1x1x128xi32, #tpu.memory_space<vmem>> -> memref<128xi32, #tpu.memory_space<vmem>>
      %dma_wait3A_246 = arith.constant 0 : i32
      %dma_wait3A_247 = arith.constant 0 : i32
      %dma_wait3A_248 = tpu.memref_slice %arg11[%dma_wait3A_246, %dma_wait3A_247] : memref<10240x128xf32, #tpu.memory_space<vmem_shared>> -> memref<10240x128xf32, #tpu.memory_space<vmem_shared>>
      tpu.wait_indirect_dma semaphore(%arg16 : memref<!tpu.dma_semaphore, #tpu.memory_space<semaphore_mem>>) src(%arg8 : memref<128x128xf32, #tpu.memory_space<vmem>>) dst(%dma_wait3A_248 : memref<10240x128xf32, #tpu.memory_space<vmem_shared>>)
      %dma_start3A_249 = arith.constant 2 : i32
      %dma_start3A_250 = arith.constant 0 : i32
      %dma_start3A_251 = arith.constant 0 : i32
      %dma_start3A_252 = arith.constant 0 : i32
      %dma_start3A_253 = arith.constant 0 : i32
      %dma_start3A_254 = tpu.memref_slice %arg7[%rem3A_140, %dma_start3A_251, %dma_start3A_252, %dma_start3A_253] : memref<2x8x3x128xi32, #tpu.memory_space<vmem>> -> memref<1x8x3x128xi32, #tpu.memory_space<vmem>>
      %dma_start3A_255 = tpu.memref_squeeze %dma_start3A_254 : memref<1x8x3x128xi32, #tpu.memory_space<vmem>> -> memref<8x3x128xi32, #tpu.memory_space<vmem>>
      %dma_start3A_256 = arith.constant 0 : i32
      %dma_start3A_257 = tpu.memref_slice %dma_start3A_255[%dma_start3A_249, %dma_start3A_250, %dma_start3A_256] : memref<8x3x128xi32, #tpu.memory_space<vmem>> -> memref<1x1x128xi32, #tpu.memory_space<vmem>>
      %dma_start3A_258 = tpu.memref_squeeze %dma_start3A_257 : memref<1x1x128xi32, #tpu.memory_space<vmem>> -> memref<128xi32, #tpu.memory_space<vmem>>
      %dma_start3A_259 = arith.constant 0 : i32
      %dma_start3A_260 = arith.constant 0 : i32
      %dma_start3A_261 = tpu.memref_slice %arg2[%dma_start3A_259, %dma_start3A_260] : memref<10000x128xf32, #tpu.memory_space<hbm>> -> memref<10000x128xf32, #tpu.memory_space<hbm>>
      tpu.enqueue_indirect_dma source(%dma_start3A_261 : memref<10000x128xf32, #tpu.memory_space<hbm>>) target(%arg8 : memref<128x128xf32, #tpu.memory_space<vmem>>) offsets(%dma_start3A_258 : memref<128xi32, #tpu.memory_space<vmem>>) semaphore(%arg14 : memref<!tpu.dma_semaphore, #tpu.memory_space<semaphore_mem>>)
      %dma_wait3A_262 = arith.constant 1 : i32
      %dma_wait3A_263 = arith.constant 0 : i32
      %dma_wait3A_264 = arith.constant 0 : i32
      %dma_wait3A_265 = arith.constant 0 : i32
      %dma_wait3A_266 = arith.constant 0 : i32
      %dma_wait3A_267 = tpu.memref_slice %arg7[%rem3A_140, %dma_wait3A_264, %dma_wait3A_265, %dma_wait3A_266] : memref<2x8x3x128xi32, #tpu.memory_space<vmem>> -> memref<1x8x3x128xi32, #tpu.memory_space<vmem>>
      %dma_wait3A_268 = tpu.memref_squeeze %dma_wait3A_267 : memref<1x8x3x128xi32, #tpu.memory_space<vmem>> -> memref<8x3x128xi32, #tpu.memory_space<vmem>>
      %dma_wait3A_269 = arith.constant 0 : i32
      %dma_wait3A_270 = tpu.memref_slice %dma_wait3A_268[%dma_wait3A_262, %dma_wait3A_263, %dma_wait3A_269] : memref<8x3x128xi32, #tpu.memory_space<vmem>> -> memref<1x1x128xi32, #tpu.memory_space<vmem>>
      %dma_wait3A_271 = tpu.memref_squeeze %dma_wait3A_270 : memref<1x1x128xi32, #tpu.memory_space<vmem>> -> memref<128xi32, #tpu.memory_space<vmem>>
      %dma_wait3A_272 = arith.constant 0 : i32
      %dma_wait3A_273 = arith.constant 0 : i32
      %dma_wait3A_274 = tpu.memref_slice %arg12[%dma_wait3A_272, %dma_wait3A_273] : memref<208x128xf32, #tpu.memory_space<vmem_shared>> -> memref<208x128xf32, #tpu.memory_space<vmem_shared>>
      tpu.wait_indirect_dma semaphore(%arg15 : memref<!tpu.dma_semaphore, #tpu.memory_space<semaphore_mem>>) src(%dma_wait3A_274 : memref<208x128xf32, #tpu.memory_space<vmem_shared>>) dst(%arg9 : memref<128x128xf32, #tpu.memory_space<vmem>>)
      %dma_start3A_275 = arith.constant 1 : i32
      %dma_start3A_276 = arith.constant 1 : i32
      %dma_start3A_277 = arith.constant 0 : i32
      %dma_start3A_278 = arith.constant 0 : i32
      %dma_start3A_279 = arith.constant 0 : i32
      %dma_start3A_280 = tpu.memref_slice %arg7[%rem3A_140, %dma_start3A_277, %dma_start3A_278, %dma_start3A_279] : memref<2x8x3x128xi32, #tpu.memory_space<vmem>> -> memref<1x8x3x128xi32, #tpu.memory_space<vmem>>
      %dma_start3A_281 = tpu.memref_squeeze %dma_start3A_280 : memref<1x8x3x128xi32, #tpu.memory_space<vmem>> -> memref<8x3x128xi32, #tpu.memory_space<vmem>>
      %dma_start3A_282 = arith.constant 0 : i32
      %dma_start3A_283 = tpu.memref_slice %dma_start3A_281[%dma_start3A_275, %dma_start3A_276, %dma_start3A_282] : memref<8x3x128xi32, #tpu.memory_space<vmem>> -> memref<1x1x128xi32, #tpu.memory_space<vmem>>
      %dma_start3A_284 = tpu.memref_squeeze %dma_start3A_283 : memref<1x1x128xi32, #tpu.memory_space<vmem>> -> memref<128xi32, #tpu.memory_space<vmem>>
      %dma_start3A_285 = arith.constant 0 : i32
      %dma_start3A_286 = arith.constant 0 : i32
      %dma_start3A_287 = tpu.memref_slice %arg11[%dma_start3A_285, %dma_start3A_286] : memref<10240x128xf32, #tpu.memory_space<vmem_shared>> -> memref<10240x128xf32, #tpu.memory_space<vmem_shared>>
      tpu.enqueue_indirect_dma source(%arg9 : memref<128x128xf32, #tpu.memory_space<vmem>>) target(%dma_start3A_287 : memref<10240x128xf32, #tpu.memory_space<vmem_shared>>) offsets(%dma_start3A_284 : memref<128xi32, #tpu.memory_space<vmem>>) semaphore(%arg17 : memref<!tpu.dma_semaphore, #tpu.memory_space<semaphore_mem>>) {add = true}
      %dma_wait3A_288 = arith.constant 1 : i32
      %dma_wait3A_289 = arith.constant 1 : i32
      %dma_wait3A_290 = arith.constant 0 : i32
      %dma_wait3A_291 = arith.constant 0 : i32
      %dma_wait3A_292 = arith.constant 0 : i32
      %dma_wait3A_293 = tpu.memref_slice %arg7[%rem3A_140, %dma_wait3A_290, %dma_wait3A_291, %dma_wait3A_292] : memref<2x8x3x128xi32, #tpu.memory_space<vmem>> -> memref<1x8x3x128xi32, #tpu.memory_space<vmem>>
      %dma_wait3A_294 = tpu.memref_squeeze %dma_wait3A_293 : memref<1x8x3x128xi32, #tpu.memory_space<vmem>> -> memref<8x3x128xi32, #tpu.memory_space<vmem>>
      %dma_wait3A_295 = arith.constant 0 : i32
      %dma_wait3A_296 = tpu.memref_slice %dma_wait3A_294[%dma_wait3A_288, %dma_wait3A_289, %dma_wait3A_295] : memref<8x3x128xi32, #tpu.memory_space<vmem>> -> memref<1x1x128xi32, #tpu.memory_space<vmem>>
      %dma_wait3A_297 = tpu.memref_squeeze %dma_wait3A_296 : memref<1x1x128xi32, #tpu.memory_space<vmem>> -> memref<128xi32, #tpu.memory_space<vmem>>
      %dma_wait3A_298 = arith.constant 0 : i32
      %dma_wait3A_299 = arith.constant 0 : i32
      %dma_wait3A_300 = tpu.memref_slice %arg11[%dma_wait3A_298, %dma_wait3A_299] : memref<10240x128xf32, #tpu.memory_space<vmem_shared>> -> memref<10240x128xf32, #tpu.memory_space<vmem_shared>>
      tpu.wait_indirect_dma semaphore(%arg17 : memref<!tpu.dma_semaphore, #tpu.memory_space<semaphore_mem>>) src(%arg9 : memref<128x128xf32, #tpu.memory_space<vmem>>) dst(%dma_wait3A_300 : memref<10240x128xf32, #tpu.memory_space<vmem_shared>>)
      %dma_start3A_301 = arith.constant 3 : i32
      %dma_start3A_302 = arith.constant 0 : i32
      %dma_start3A_303 = arith.constant 0 : i32
      %dma_start3A_304 = arith.constant 0 : i32
      %dma_start3A_305 = arith.constant 0 : i32
      %dma_start3A_306 = tpu.memref_slice %arg7[%rem3A_140, %dma_start3A_303, %dma_start3A_304, %dma_start3A_305] : memref<2x8x3x128xi32, #tpu.memory_space<vmem>> -> memref<1x8x3x128xi32, #tpu.memory_space<vmem>>
      %dma_start3A_307 = tpu.memref_squeeze %dma_start3A_306 : memref<1x8x3x128xi32, #tpu.memory_space<vmem>> -> memref<8x3x128xi32, #tpu.memory_space<vmem>>
      %dma_start3A_308 = arith.constant 0 : i32
      %dma_start3A_309 = tpu.memref_slice %dma_start3A_307[%dma_start3A_301, %dma_start3A_302, %dma_start3A_308] : memref<8x3x128xi32, #tpu.memory_space<vmem>> -> memref<1x1x128xi32, #tpu.memory_space<vmem>>
      %dma_start3A_310 = tpu.memref_squeeze %dma_start3A_309 : memref<1x1x128xi32, #tpu.memory_space<vmem>> -> memref<128xi32, #tpu.memory_space<vmem>>
      %dma_start3A_311 = arith.constant 0 : i32
      %dma_start3A_312 = arith.constant 0 : i32
      %dma_start3A_313 = tpu.memref_slice %arg12[%dma_start3A_311, %dma_start3A_312] : memref<208x128xf32, #tpu.memory_space<vmem_shared>> -> memref<208x128xf32, #tpu.memory_space<vmem_shared>>
      tpu.enqueue_indirect_dma source(%dma_start3A_313 : memref<208x128xf32, #tpu.memory_space<vmem_shared>>) target(%arg9 : memref<128x128xf32, #tpu.memory_space<vmem>>) offsets(%dma_start3A_310 : memref<128xi32, #tpu.memory_space<vmem>>) semaphore(%arg15 : memref<!tpu.dma_semaphore, #tpu.memory_space<semaphore_mem>>)
      %dma_wait3A_314 = arith.constant 2 : i32
      %dma_wait3A_315 = arith.constant 0 : i32
      %dma_wait3A_316 = arith.constant 0 : i32
      %dma_wait3A_317 = arith.constant 0 : i32
      %dma_wait3A_318 = arith.constant 0 : i32
      %dma_wait3A_319 = tpu.memref_slice %arg7[%rem3A_140, %dma_wait3A_316, %dma_wait3A_317, %dma_wait3A_318] : memref<2x8x3x128xi32, #tpu.memory_space<vmem>> -> memref<1x8x3x128xi32, #tpu.memory_space<vmem>>
      %dma_wait3A_320 = tpu.memref_squeeze %dma_wait3A_319 : memref<1x8x3x128xi32, #tpu.memory_space<vmem>> -> memref<8x3x128xi32, #tpu.memory_space<vmem>>
      %dma_wait3A_321 = arith.constant 0 : i32
      %dma_wait3A_322 = tpu.memref_slice %dma_wait3A_320[%dma_wait3A_314, %dma_wait3A_315, %dma_wait3A_321] : memref<8x3x128xi32, #tpu.memory_space<vmem>> -> memref<1x1x128xi32, #tpu.memory_space<vmem>>
      %dma_wait3A_323 = tpu.memref_squeeze %dma_wait3A_322 : memref<1x1x128xi32, #tpu.memory_space<vmem>> -> memref<128xi32, #tpu.memory_space<vmem>>
      %dma_wait3A_324 = arith.constant 0 : i32
      %dma_wait3A_325 = arith.constant 0 : i32
      %dma_wait3A_326 = tpu.memref_slice %arg2[%dma_wait3A_324, %dma_wait3A_325] : memref<10000x128xf32, #tpu.memory_space<hbm>> -> memref<10000x128xf32, #tpu.memory_space<hbm>>
      tpu.wait_indirect_dma semaphore(%arg14 : memref<!tpu.dma_semaphore, #tpu.memory_space<semaphore_mem>>) src(%dma_wait3A_326 : memref<10000x128xf32, #tpu.memory_space<hbm>>) dst(%arg8 : memref<128x128xf32, #tpu.memory_space<vmem>>)
      %dma_start3A_327 = arith.constant 2 : i32
      %dma_start3A_328 = arith.constant 1 : i32
      %dma_start3A_329 = arith.constant 0 : i32
      %dma_start3A_330 = arith.constant 0 : i32
      %dma_start3A_331 = arith.constant 0 : i32
      %dma_start3A_332 = tpu.memref_slice %arg7[%rem3A_140, %dma_start3A_329, %dma_start3A_330, %dma_start3A_331] : memref<2x8x3x128xi32, #tpu.memory_space<vmem>> -> memref<1x8x3x128xi32, #tpu.memory_space<vmem>>
      %dma_start3A_333 = tpu.memref_squeeze %dma_start3A_332 : memref<1x8x3x128xi32, #tpu.memory_space<vmem>> -> memref<8x3x128xi32, #tpu.memory_space<vmem>>
      %dma_start3A_334 = arith.constant 0 : i32
      %dma_start3A_335 = tpu.memref_slice %dma_start3A_333[%dma_start3A_327, %dma_start3A_328, %dma_start3A_334] : memref<8x3x128xi32, #tpu.memory_space<vmem>> -> memref<1x1x128xi32, #tpu.memory_space<vmem>>
      %dma_start3A_336 = tpu.memref_squeeze %dma_start3A_335 : memref<1x1x128xi32, #tpu.memory_space<vmem>> -> memref<128xi32, #tpu.memory_space<vmem>>
      %dma_start3A_337 = arith.constant 0 : i32
      %dma_start3A_338 = arith.constant 0 : i32
      %dma_start3A_339 = tpu.memref_slice %arg11[%dma_start3A_337, %dma_start3A_338] : memref<10240x128xf32, #tpu.memory_space<vmem_shared>> -> memref<10240x128xf32, #tpu.memory_space<vmem_shared>>
      tpu.enqueue_indirect_dma source(%arg8 : memref<128x128xf32, #tpu.memory_space<vmem>>) target(%dma_start3A_339 : memref<10240x128xf32, #tpu.memory_space<vmem_shared>>) offsets(%dma_start3A_336 : memref<128xi32, #tpu.memory_space<vmem>>) semaphore(%arg16 : memref<!tpu.dma_semaphore, #tpu.memory_space<semaphore_mem>>) {add = true}
      %dma_wait3A_340 = arith.constant 2 : i32
      %dma_wait3A_341 = arith.constant 1 : i32
      %dma_wait3A_342 = arith.constant 0 : i32
      %dma_wait3A_343 = arith.constant 0 : i32
      %dma_wait3A_344 = arith.constant 0 : i32
      %dma_wait3A_345 = tpu.memref_slice %arg7[%rem3A_140, %dma_wait3A_342, %dma_wait3A_343, %dma_wait3A_344] : memref<2x8x3x128xi32, #tpu.memory_space<vmem>> -> memref<1x8x3x128xi32, #tpu.memory_space<vmem>>
      %dma_wait3A_346 = tpu.memref_squeeze %dma_wait3A_345 : memref<1x8x3x128xi32, #tpu.memory_space<vmem>> -> memref<8x3x128xi32, #tpu.memory_space<vmem>>
      %dma_wait3A_347 = arith.constant 0 : i32
      %dma_wait3A_348 = tpu.memref_slice %dma_wait3A_346[%dma_wait3A_340, %dma_wait3A_341, %dma_wait3A_347] : memref<8x3x128xi32, #tpu.memory_space<vmem>> -> memref<1x1x128xi32, #tpu.memory_space<vmem>>
      %dma_wait3A_349 = tpu.memref_squeeze %dma_wait3A_348 : memref<1x1x128xi32, #tpu.memory_space<vmem>> -> memref<128xi32, #tpu.memory_space<vmem>>
      %dma_wait3A_350 = arith.constant 0 : i32
      %dma_wait3A_351 = arith.constant 0 : i32
      %dma_wait3A_352 = tpu.memref_slice %arg11[%dma_wait3A_350, %dma_wait3A_351] : memref<10240x128xf32, #tpu.memory_space<vmem_shared>> -> memref<10240x128xf32, #tpu.memory_space<vmem_shared>>
      tpu.wait_indirect_dma semaphore(%arg16 : memref<!tpu.dma_semaphore, #tpu.memory_space<semaphore_mem>>) src(%arg8 : memref<128x128xf32, #tpu.memory_space<vmem>>) dst(%dma_wait3A_352 : memref<10240x128xf32, #tpu.memory_space<vmem_shared>>)
      %dma_start3A_353 = arith.constant 4 : i32
      %dma_start3A_354 = arith.constant 0 : i32
      %dma_start3A_355 = arith.constant 0 : i32
      %dma_start3A_356 = arith.constant 0 : i32
      %dma_start3A_357 = arith.constant 0 : i32
      %dma_start3A_358 = tpu.memref_slice %arg7[%rem3A_140, %dma_start3A_355, %dma_start3A_356, %dma_start3A_357] : memref<2x8x3x128xi32, #tpu.memory_space<vmem>> -> memref<1x8x3x128xi32, #tpu.memory_space<vmem>>
      %dma_start3A_359 = tpu.memref_squeeze %dma_start3A_358 : memref<1x8x3x128xi32, #tpu.memory_space<vmem>> -> memref<8x3x128xi32, #tpu.memory_space<vmem>>
      %dma_start3A_360 = arith.constant 0 : i32
      %dma_start3A_361 = tpu.memref_slice %dma_start3A_359[%dma_start3A_353, %dma_start3A_354, %dma_start3A_360] : memref<8x3x128xi32, #tpu.memory_space<vmem>> -> memref<1x1x128xi32, #tpu.memory_space<vmem>>
      %dma_start3A_362 = tpu.memref_squeeze %dma_start3A_361 : memref<1x1x128xi32, #tpu.memory_space<vmem>> -> memref<128xi32, #tpu.memory_space<vmem>>
      %dma_start3A_363 = arith.constant 0 : i32
      %dma_start3A_364 = arith.constant 0 : i32
      %dma_start3A_365 = tpu.memref_slice %arg2[%dma_start3A_363, %dma_start3A_364] : memref<10000x128xf32, #tpu.memory_space<hbm>> -> memref<10000x128xf32, #tpu.memory_space<hbm>>
      tpu.enqueue_indirect_dma source(%dma_start3A_365 : memref<10000x128xf32, #tpu.memory_space<hbm>>) target(%arg8 : memref<128x128xf32, #tpu.memory_space<vmem>>) offsets(%dma_start3A_362 : memref<128xi32, #tpu.memory_space<vmem>>) semaphore(%arg14 : memref<!tpu.dma_semaphore, #tpu.memory_space<semaphore_mem>>)
      %dma_wait3A_366 = arith.constant 3 : i32
      %dma_wait3A_367 = arith.constant 0 : i32
      %dma_wait3A_368 = arith.constant 0 : i32
      %dma_wait3A_369 = arith.constant 0 : i32
      %dma_wait3A_370 = arith.constant 0 : i32
      %dma_wait3A_371 = tpu.memref_slice %arg7[%rem3A_140, %dma_wait3A_368, %dma_wait3A_369, %dma_wait3A_370] : memref<2x8x3x128xi32, #tpu.memory_space<vmem>> -> memref<1x8x3x128xi32, #tpu.memory_space<vmem>>
      %dma_wait3A_372 = tpu.memref_squeeze %dma_wait3A_371 : memref<1x8x3x128xi32, #tpu.memory_space<vmem>> -> memref<8x3x128xi32, #tpu.memory_space<vmem>>
      %dma_wait3A_373 = arith.constant 0 : i32
      %dma_wait3A_374 = tpu.memref_slice %dma_wait3A_372[%dma_wait3A_366, %dma_wait3A_367, %dma_wait3A_373] : memref<8x3x128xi32, #tpu.memory_space<vmem>> -> memref<1x1x128xi32, #tpu.memory_space<vmem>>
      %dma_wait3A_375 = tpu.memref_squeeze %dma_wait3A_374 : memref<1x1x128xi32, #tpu.memory_space<vmem>> -> memref<128xi32, #tpu.memory_space<vmem>>
      %dma_wait3A_376 = arith.constant 0 : i32
      %dma_wait3A_377 = arith.constant 0 : i32
      %dma_wait3A_378 = tpu.memref_slice %arg12[%dma_wait3A_376, %dma_wait3A_377] : memref<208x128xf32, #tpu.memory_space<vmem_shared>> -> memref<208x128xf32, #tpu.memory_space<vmem_shared>>
      tpu.wait_indirect_dma semaphore(%arg15 : memref<!tpu.dma_semaphore, #tpu.memory_space<semaphore_mem>>) src(%dma_wait3A_378 : memref<208x128xf32, #tpu.memory_space<vmem_shared>>) dst(%arg9 : memref<128x128xf32, #tpu.memory_space<vmem>>)
      %dma_start3A_379 = arith.constant 3 : i32
      %dma_start3A_380 = arith.constant 1 : i32
      %dma_start3A_381 = arith.constant 0 : i32
      %dma_start3A_382 = arith.constant 0 : i32
      %dma_start3A_383 = arith.constant 0 : i32
      %dma_start3A_384 = tpu.memref_slice %arg7[%rem3A_140, %dma_start3A_381, %dma_start3A_382, %dma_start3A_383] : memref<2x8x3x128xi32, #tpu.memory_space<vmem>> -> memref<1x8x3x128xi32, #tpu.memory_space<vmem>>
      %dma_start3A_385 = tpu.memref_squeeze %dma_start3A_384 : memref<1x8x3x128xi32, #tpu.memory_space<vmem>> -> memref<8x3x128xi32, #tpu.memory_space<vmem>>
      %dma_start3A_386 = arith.constant 0 : i32
      %dma_start3A_387 = tpu.memref_slice %dma_start3A_385[%dma_start3A_379, %dma_start3A_380, %dma_start3A_386] : memref<8x3x128xi32, #tpu.memory_space<vmem>> -> memref<1x1x128xi32, #tpu.memory_space<vmem>>
      %dma_start3A_388 = tpu.memref_squeeze %dma_start3A_387 : memref<1x1x128xi32, #tpu.memory_space<vmem>> -> memref<128xi32, #tpu.memory_space<vmem>>
      %dma_start3A_389 = arith.constant 0 : i32
      %dma_start3A_390 = arith.constant 0 : i32
      %dma_start3A_391 = tpu.memref_slice %arg11[%dma_start3A_389, %dma_start3A_390] : memref<10240x128xf32, #tpu.memory_space<vmem_shared>> -> memref<10240x128xf32, #tpu.memory_space<vmem_shared>>
      tpu.enqueue_indirect_dma source(%arg9 : memref<128x128xf32, #tpu.memory_space<vmem>>) target(%dma_start3A_391 : memref<10240x128xf32, #tpu.memory_space<vmem_shared>>) offsets(%dma_start3A_388 : memref<128xi32, #tpu.memory_space<vmem>>) semaphore(%arg17 : memref<!tpu.dma_semaphore, #tpu.memory_space<semaphore_mem>>) {add = true}
      %dma_wait3A_392 = arith.constant 3 : i32
      %dma_wait3A_393 = arith.constant 1 : i32
      %dma_wait3A_394 = arith.constant 0 : i32
      %dma_wait3A_395 = arith.constant 0 : i32
      %dma_wait3A_396 = arith.constant 0 : i32
      %dma_wait3A_397 = tpu.memref_slice %arg7[%rem3A_140, %dma_wait3A_394, %dma_wait3A_395, %dma_wait3A_396] : memref<2x8x3x128xi32, #tpu.memory_space<vmem>> -> memref<1x8x3x128xi32, #tpu.memory_space<vmem>>
      %dma_wait3A_398 = tpu.memref_squeeze %dma_wait3A_397 : memref<1x8x3x128xi32, #tpu.memory_space<vmem>> -> memref<8x3x128xi32, #tpu.memory_space<vmem>>
      %dma_wait3A_399 = arith.constant 0 : i32
      %dma_wait3A_400 = tpu.memref_slice %dma_wait3A_398[%dma_wait3A_392, %dma_wait3A_393, %dma_wait3A_399] : memref<8x3x128xi32, #tpu.memory_space<vmem>> -> memref<1x1x128xi32, #tpu.memory_space<vmem>>
      %dma_wait3A_401 = tpu.memref_squeeze %dma_wait3A_400 : memref<1x1x128xi32, #tpu.memory_space<vmem>> -> memref<128xi32, #tpu.memory_space<vmem>>
      %dma_wait3A_402 = arith.constant 0 : i32
      %dma_wait3A_403 = arith.constant 0 : i32
      %dma_wait3A_404 = tpu.memref_slice %arg11[%dma_wait3A_402, %dma_wait3A_403] : memref<10240x128xf32, #tpu.memory_space<vmem_shared>> -> memref<10240x128xf32, #tpu.memory_space<vmem_shared>>
      tpu.wait_indirect_dma semaphore(%arg17 : memref<!tpu.dma_semaphore, #tpu.memory_space<semaphore_mem>>) src(%arg9 : memref<128x128xf32, #tpu.memory_space<vmem>>) dst(%dma_wait3A_404 : memref<10240x128xf32, #tpu.memory_space<vmem_shared>>)
      %dma_start3A_405 = arith.constant 5 : i32
      %dma_start3A_406 = arith.constant 0 : i32
      %dma_start3A_407 = arith.constant 0 : i32
      %dma_start3A_408 = arith.constant 0 : i32
      %dma_start3A_409 = arith.constant 0 : i32
      %dma_start3A_410 = tpu.memref_slice %arg7[%rem3A_140, %dma_start3A_407, %dma_start3A_408, %dma_start3A_409] : memref<2x8x3x128xi32, #tpu.memory_space<vmem>> -> memref<1x8x3x128xi32, #tpu.memory_space<vmem>>
      %dma_start3A_411 = tpu.memref_squeeze %dma_start3A_410 : memref<1x8x3x128xi32, #tpu.memory_space<vmem>> -> memref<8x3x128xi32, #tpu.memory_space<vmem>>
      %dma_start3A_412 = arith.constant 0 : i32
      %dma_start3A_413 = tpu.memref_slice %dma_start3A_411[%dma_start3A_405, %dma_start3A_406, %dma_start3A_412] : memref<8x3x128xi32, #tpu.memory_space<vmem>> -> memref<1x1x128xi32, #tpu.memory_space<vmem>>
      %dma_start3A_414 = tpu.memref_squeeze %dma_start3A_413 : memref<1x1x128xi32, #tpu.memory_space<vmem>> -> memref<128xi32, #tpu.memory_space<vmem>>
      %dma_start3A_415 = arith.constant 0 : i32
      %dma_start3A_416 = arith.constant 0 : i32
      %dma_start3A_417 = tpu.memref_slice %arg12[%dma_start3A_415, %dma_start3A_416] : memref<208x128xf32, #tpu.memory_space<vmem_shared>> -> memref<208x128xf32, #tpu.memory_space<vmem_shared>>
      tpu.enqueue_indirect_dma source(%dma_start3A_417 : memref<208x128xf32, #tpu.memory_space<vmem_shared>>) target(%arg9 : memref<128x128xf32, #tpu.memory_space<vmem>>) offsets(%dma_start3A_414 : memref<128xi32, #tpu.memory_space<vmem>>) semaphore(%arg15 : memref<!tpu.dma_semaphore, #tpu.memory_space<semaphore_mem>>)
      %dma_wait3A_418 = arith.constant 4 : i32
      %dma_wait3A_419 = arith.constant 0 : i32
      %dma_wait3A_420 = arith.constant 0 : i32
      %dma_wait3A_421 = arith.constant 0 : i32
      %dma_wait3A_422 = arith.constant 0 : i32
      %dma_wait3A_423 = tpu.memref_slice %arg7[%rem3A_140, %dma_wait3A_420, %dma_wait3A_421, %dma_wait3A_422] : memref<2x8x3x128xi32, #tpu.memory_space<vmem>> -> memref<1x8x3x128xi32, #tpu.memory_space<vmem>>
      %dma_wait3A_424 = tpu.memref_squeeze %dma_wait3A_423 : memref<1x8x3x128xi32, #tpu.memory_space<vmem>> -> memref<8x3x128xi32, #tpu.memory_space<vmem>>
      %dma_wait3A_425 = arith.constant 0 : i32
      %dma_wait3A_426 = tpu.memref_slice %dma_wait3A_424[%dma_wait3A_418, %dma_wait3A_419, %dma_wait3A_425] : memref<8x3x128xi32, #tpu.memory_space<vmem>> -> memref<1x1x128xi32, #tpu.memory_space<vmem>>
      %dma_wait3A_427 = tpu.memref_squeeze %dma_wait3A_426 : memref<1x1x128xi32, #tpu.memory_space<vmem>> -> memref<128xi32, #tpu.memory_space<vmem>>
      %dma_wait3A_428 = arith.constant 0 : i32
      %dma_wait3A_429 = arith.constant 0 : i32
      %dma_wait3A_430 = tpu.memref_slice %arg2[%dma_wait3A_428, %dma_wait3A_429] : memref<10000x128xf32, #tpu.memory_space<hbm>> -> memref<10000x128xf32, #tpu.memory_space<hbm>>
      tpu.wait_indirect_dma semaphore(%arg14 : memref<!tpu.dma_semaphore, #tpu.memory_space<semaphore_mem>>) src(%dma_wait3A_430 : memref<10000x128xf32, #tpu.memory_space<hbm>>) dst(%arg8 : memref<128x128xf32, #tpu.memory_space<vmem>>)
      %dma_start3A_431 = arith.constant 4 : i32
      %dma_start3A_432 = arith.constant 1 : i32
      %dma_start3A_433 = arith.constant 0 : i32
      %dma_start3A_434 = arith.constant 0 : i32
      %dma_start3A_435 = arith.constant 0 : i32
      %dma_start3A_436 = tpu.memref_slice %arg7[%rem3A_140, %dma_start3A_433, %dma_start3A_434, %dma_start3A_435] : memref<2x8x3x128xi32, #tpu.memory_space<vmem>> -> memref<1x8x3x128xi32, #tpu.memory_space<vmem>>
      %dma_start3A_437 = tpu.memref_squeeze %dma_start3A_436 : memref<1x8x3x128xi32, #tpu.memory_space<vmem>> -> memref<8x3x128xi32, #tpu.memory_space<vmem>>
      %dma_start3A_438 = arith.constant 0 : i32
      %dma_start3A_439 = tpu.memref_slice %dma_start3A_437[%dma_start3A_431, %dma_start3A_432, %dma_start3A_438] : memref<8x3x128xi32, #tpu.memory_space<vmem>> -> memref<1x1x128xi32, #tpu.memory_space<vmem>>
      %dma_start3A_440 = tpu.memref_squeeze %dma_start3A_439 : memref<1x1x128xi32, #tpu.memory_space<vmem>> -> memref<128xi32, #tpu.memory_space<vmem>>
      %dma_start3A_441 = arith.constant 0 : i32
      %dma_start3A_442 = arith.constant 0 : i32
      %dma_start3A_443 = tpu.memref_slice %arg11[%dma_start3A_441, %dma_start3A_442] : memref<10240x128xf32, #tpu.memory_space<vmem_shared>> -> memref<10240x128xf32, #tpu.memory_space<vmem_shared>>
      tpu.enqueue_indirect_dma source(%arg8 : memref<128x128xf32, #tpu.memory_space<vmem>>) target(%dma_start3A_443 : memref<10240x128xf32, #tpu.memory_space<vmem_shared>>) offsets(%dma_start3A_440 : memref<128xi32, #tpu.memory_space<vmem>>) semaphore(%arg16 : memref<!tpu.dma_semaphore, #tpu.memory_space<semaphore_mem>>) {add = true}
      %dma_wait3A_444 = arith.constant 4 : i32
      %dma_wait3A_445 = arith.constant 1 : i32
      %dma_wait3A_446 = arith.constant 0 : i32
      %dma_wait3A_447 = arith.constant 0 : i32
      %dma_wait3A_448 = arith.constant 0 : i32
      %dma_wait3A_449 = tpu.memref_slice %arg7[%rem3A_140, %dma_wait3A_446, %dma_wait3A_447, %dma_wait3A_448] : memref<2x8x3x128xi32, #tpu.memory_space<vmem>> -> memref<1x8x3x128xi32, #tpu.memory_space<vmem>>
      %dma_wait3A_450 = tpu.memref_squeeze %dma_wait3A_449 : memref<1x8x3x128xi32, #tpu.memory_space<vmem>> -> memref<8x3x128xi32, #tpu.memory_space<vmem>>
      %dma_wait3A_451 = arith.constant 0 : i32
      %dma_wait3A_452 = tpu.memref_slice %dma_wait3A_450[%dma_wait3A_444, %dma_wait3A_445, %dma_wait3A_451] : memref<8x3x128xi32, #tpu.memory_space<vmem>> -> memref<1x1x128xi32, #tpu.memory_space<vmem>>
      %dma_wait3A_453 = tpu.memref_squeeze %dma_wait3A_452 : memref<1x1x128xi32, #tpu.memory_space<vmem>> -> memref<128xi32, #tpu.memory_space<vmem>>
      %dma_wait3A_454 = arith.constant 0 : i32
      %dma_wait3A_455 = arith.constant 0 : i32
      %dma_wait3A_456 = tpu.memref_slice %arg11[%dma_wait3A_454, %dma_wait3A_455] : memref<10240x128xf32, #tpu.memory_space<vmem_shared>> -> memref<10240x128xf32, #tpu.memory_space<vmem_shared>>
      tpu.wait_indirect_dma semaphore(%arg16 : memref<!tpu.dma_semaphore, #tpu.memory_space<semaphore_mem>>) src(%arg8 : memref<128x128xf32, #tpu.memory_space<vmem>>) dst(%dma_wait3A_456 : memref<10240x128xf32, #tpu.memory_space<vmem_shared>>)
      %dma_start3A_457 = arith.constant 6 : i32
      %dma_start3A_458 = arith.constant 0 : i32
      %dma_start3A_459 = arith.constant 0 : i32
      %dma_start3A_460 = arith.constant 0 : i32
      %dma_start3A_461 = arith.constant 0 : i32
      %dma_start3A_462 = tpu.memref_slice %arg7[%rem3A_140, %dma_start3A_459, %dma_start3A_460, %dma_start3A_461] : memref<2x8x3x128xi32, #tpu.memory_space<vmem>> -> memref<1x8x3x128xi32, #tpu.memory_space<vmem>>
      %dma_start3A_463 = tpu.memref_squeeze %dma_start3A_462 : memref<1x8x3x128xi32, #tpu.memory_space<vmem>> -> memref<8x3x128xi32, #tpu.memory_space<vmem>>
      %dma_start3A_464 = arith.constant 0 : i32
      %dma_start3A_465 = tpu.memref_slice %dma_start3A_463[%dma_start3A_457, %dma_start3A_458, %dma_start3A_464] : memref<8x3x128xi32, #tpu.memory_space<vmem>> -> memref<1x1x128xi32, #tpu.memory_space<vmem>>
      %dma_start3A_466 = tpu.memref_squeeze %dma_start3A_465 : memref<1x1x128xi32, #tpu.memory_space<vmem>> -> memref<128xi32, #tpu.memory_space<vmem>>
      %dma_start3A_467 = arith.constant 0 : i32
      %dma_start3A_468 = arith.constant 0 : i32
      %dma_start3A_469 = tpu.memref_slice %arg2[%dma_start3A_467, %dma_start3A_468] : memref<10000x128xf32, #tpu.memory_space<hbm>> -> memref<10000x128xf32, #tpu.memory_space<hbm>>
      tpu.enqueue_indirect_dma source(%dma_start3A_469 : memref<10000x128xf32, #tpu.memory_space<hbm>>) target(%arg8 : memref<128x128xf32, #tpu.memory_space<vmem>>) offsets(%dma_start3A_466 : memref<128xi32, #tpu.memory_space<vmem>>) semaphore(%arg14 : memref<!tpu.dma_semaphore, #tpu.memory_space<semaphore_mem>>)
      %dma_wait3A_470 = arith.constant 5 : i32
      %dma_wait3A_471 = arith.constant 0 : i32
      %dma_wait3A_472 = arith.constant 0 : i32
      %dma_wait3A_473 = arith.constant 0 : i32
      %dma_wait3A_474 = arith.constant 0 : i32
      %dma_wait3A_475 = tpu.memref_slice %arg7[%rem3A_140, %dma_wait3A_472, %dma_wait3A_473, %dma_wait3A_474] : memref<2x8x3x128xi32, #tpu.memory_space<vmem>> -> memref<1x8x3x128xi32, #tpu.memory_space<vmem>>
      %dma_wait3A_476 = tpu.memref_squeeze %dma_wait3A_475 : memref<1x8x3x128xi32, #tpu.memory_space<vmem>> -> memref<8x3x128xi32, #tpu.memory_space<vmem>>
      %dma_wait3A_477 = arith.constant 0 : i32
      %dma_wait3A_478 = tpu.memref_slice %dma_wait3A_476[%dma_wait3A_470, %dma_wait3A_471, %dma_wait3A_477] : memref<8x3x128xi32, #tpu.memory_space<vmem>> -> memref<1x1x128xi32, #tpu.memory_space<vmem>>
      %dma_wait3A_479 = tpu.memref_squeeze %dma_wait3A_478 : memref<1x1x128xi32, #tpu.memory_space<vmem>> -> memref<128xi32, #tpu.memory_space<vmem>>
      %dma_wait3A_480 = arith.constant 0 : i32
      %dma_wait3A_481 = arith.constant 0 : i32
      %dma_wait3A_482 = tpu.memref_slice %arg12[%dma_wait3A_480, %dma_wait3A_481] : memref<208x128xf32, #tpu.memory_space<vmem_shared>> -> memref<208x128xf32, #tpu.memory_space<vmem_shared>>
      tpu.wait_indirect_dma semaphore(%arg15 : memref<!tpu.dma_semaphore, #tpu.memory_space<semaphore_mem>>) src(%dma_wait3A_482 : memref<208x128xf32, #tpu.memory_space<vmem_shared>>) dst(%arg9 : memref<128x128xf32, #tpu.memory_space<vmem>>)
      %dma_start3A_483 = arith.constant 5 : i32
      %dma_start3A_484 = arith.constant 1 : i32
      %dma_start3A_485 = arith.constant 0 : i32
      %dma_start3A_486 = arith.constant 0 : i32
      %dma_start3A_487 = arith.constant 0 : i32
      %dma_start3A_488 = tpu.memref_slice %arg7[%rem3A_140, %dma_start3A_485, %dma_start3A_486, %dma_start3A_487] : memref<2x8x3x128xi32, #tpu.memory_space<vmem>> -> memref<1x8x3x128xi32, #tpu.memory_space<vmem>>
      %dma_start3A_489 = tpu.memref_squeeze %dma_start3A_488 : memref<1x8x3x128xi32, #tpu.memory_space<vmem>> -> memref<8x3x128xi32, #tpu.memory_space<vmem>>
      %dma_start3A_490 = arith.constant 0 : i32
      %dma_start3A_491 = tpu.memref_slice %dma_start3A_489[%dma_start3A_483, %dma_start3A_484, %dma_start3A_490] : memref<8x3x128xi32, #tpu.memory_space<vmem>> -> memref<1x1x128xi32, #tpu.memory_space<vmem>>
      %dma_start3A_492 = tpu.memref_squeeze %dma_start3A_491 : memref<1x1x128xi32, #tpu.memory_space<vmem>> -> memref<128xi32, #tpu.memory_space<vmem>>
      %dma_start3A_493 = arith.constant 0 : i32
      %dma_start3A_494 = arith.constant 0 : i32
      %dma_start3A_495 = tpu.memref_slice %arg11[%dma_start3A_493, %dma_start3A_494] : memref<10240x128xf32, #tpu.memory_space<vmem_shared>> -> memref<10240x128xf32, #tpu.memory_space<vmem_shared>>
      tpu.enqueue_indirect_dma source(%arg9 : memref<128x128xf32, #tpu.memory_space<vmem>>) target(%dma_start3A_495 : memref<10240x128xf32, #tpu.memory_space<vmem_shared>>) offsets(%dma_start3A_492 : memref<128xi32, #tpu.memory_space<vmem>>) semaphore(%arg17 : memref<!tpu.dma_semaphore, #tpu.memory_space<semaphore_mem>>) {add = true}
      %dma_wait3A_496 = arith.constant 5 : i32
      %dma_wait3A_497 = arith.constant 1 : i32
      %dma_wait3A_498 = arith.constant 0 : i32
      %dma_wait3A_499 = arith.constant 0 : i32
      %dma_wait3A_500 = arith.constant 0 : i32
      %dma_wait3A_501 = tpu.memref_slice %arg7[%rem3A_140, %dma_wait3A_498, %dma_wait3A_499, %dma_wait3A_500] : memref<2x8x3x128xi32, #tpu.memory_space<vmem>> -> memref<1x8x3x128xi32, #tpu.memory_space<vmem>>
      %dma_wait3A_502 = tpu.memref_squeeze %dma_wait3A_501 : memref<1x8x3x128xi32, #tpu.memory_space<vmem>> -> memref<8x3x128xi32, #tpu.memory_space<vmem>>
      %dma_wait3A_503 = arith.constant 0 : i32
      %dma_wait3A_504 = tpu.memref_slice %dma_wait3A_502[%dma_wait3A_496, %dma_wait3A_497, %dma_wait3A_503] : memref<8x3x128xi32, #tpu.memory_space<vmem>> -> memref<1x1x128xi32, #tpu.memory_space<vmem>>
      %dma_wait3A_505 = tpu.memref_squeeze %dma_wait3A_504 : memref<1x1x128xi32, #tpu.memory_space<vmem>> -> memref<128xi32, #tpu.memory_space<vmem>>
      %dma_wait3A_506 = arith.constant 0 : i32
      %dma_wait3A_507 = arith.constant 0 : i32
      %dma_wait3A_508 = tpu.memref_slice %arg11[%dma_wait3A_506, %dma_wait3A_507] : memref<10240x128xf32, #tpu.memory_space<vmem_shared>> -> memref<10240x128xf32, #tpu.memory_space<vmem_shared>>
      tpu.wait_indirect_dma semaphore(%arg17 : memref<!tpu.dma_semaphore, #tpu.memory_space<semaphore_mem>>) src(%arg9 : memref<128x128xf32, #tpu.memory_space<vmem>>) dst(%dma_wait3A_508 : memref<10240x128xf32, #tpu.memory_space<vmem_shared>>)
      %dma_start3A_509 = arith.constant 7 : i32
      %dma_start3A_510 = arith.constant 0 : i32
      %dma_start3A_511 = arith.constant 0 : i32
      %dma_start3A_512 = arith.constant 0 : i32
      %dma_start3A_513 = arith.constant 0 : i32
      %dma_start3A_514 = tpu.memref_slice %arg7[%rem3A_140, %dma_start3A_511, %dma_start3A_512, %dma_start3A_513] : memref<2x8x3x128xi32, #tpu.memory_space<vmem>> -> memref<1x8x3x128xi32, #tpu.memory_space<vmem>>
      %dma_start3A_515 = tpu.memref_squeeze %dma_start3A_514 : memref<1x8x3x128xi32, #tpu.memory_space<vmem>> -> memref<8x3x128xi32, #tpu.memory_space<vmem>>
      %dma_start3A_516 = arith.constant 0 : i32
      %dma_start3A_517 = tpu.memref_slice %dma_start3A_515[%dma_start3A_509, %dma_start3A_510, %dma_start3A_516] : memref<8x3x128xi32, #tpu.memory_space<vmem>> -> memref<1x1x128xi32, #tpu.memory_space<vmem>>
      %dma_start3A_518 = tpu.memref_squeeze %dma_start3A_517 : memref<1x1x128xi32, #tpu.memory_space<vmem>> -> memref<128xi32, #tpu.memory_space<vmem>>
      %dma_start3A_519 = arith.constant 0 : i32
      %dma_start3A_520 = arith.constant 0 : i32
      %dma_start3A_521 = tpu.memref_slice %arg12[%dma_start3A_519, %dma_start3A_520] : memref<208x128xf32, #tpu.memory_space<vmem_shared>> -> memref<208x128xf32, #tpu.memory_space<vmem_shared>>
      tpu.enqueue_indirect_dma source(%dma_start3A_521 : memref<208x128xf32, #tpu.memory_space<vmem_shared>>) target(%arg9 : memref<128x128xf32, #tpu.memory_space<vmem>>) offsets(%dma_start3A_518 : memref<128xi32, #tpu.memory_space<vmem>>) semaphore(%arg15 : memref<!tpu.dma_semaphore, #tpu.memory_space<semaphore_mem>>)
      %dma_wait3A_522 = arith.constant 6 : i32
      %dma_wait3A_523 = arith.constant 0 : i32
      %dma_wait3A_524 = arith.constant 0 : i32
      %dma_wait3A_525 = arith.constant 0 : i32
      %dma_wait3A_526 = arith.constant 0 : i32
      %dma_wait3A_527 = tpu.memref_slice %arg7[%rem3A_140, %dma_wait3A_524, %dma_wait3A_525, %dma_wait3A_526] : memref<2x8x3x128xi32, #tpu.memory_space<vmem>> -> memref<1x8x3x128xi32, #tpu.memory_space<vmem>>
      %dma_wait3A_528 = tpu.memref_squeeze %dma_wait3A_527 : memref<1x8x3x128xi32, #tpu.memory_space<vmem>> -> memref<8x3x128xi32, #tpu.memory_space<vmem>>
      %dma_wait3A_529 = arith.constant 0 : i32
      %dma_wait3A_530 = tpu.memref_slice %dma_wait3A_528[%dma_wait3A_522, %dma_wait3A_523, %dma_wait3A_529] : memref<8x3x128xi32, #tpu.memory_space<vmem>> -> memref<1x1x128xi32, #tpu.memory_space<vmem>>
      %dma_wait3A_531 = tpu.memref_squeeze %dma_wait3A_530 : memref<1x1x128xi32, #tpu.memory_space<vmem>> -> memref<128xi32, #tpu.memory_space<vmem>>
      %dma_wait3A_532 = arith.constant 0 : i32
      %dma_wait3A_533 = arith.constant 0 : i32
      %dma_wait3A_534 = tpu.memref_slice %arg2[%dma_wait3A_532, %dma_wait3A_533] : memref<10000x128xf32, #tpu.memory_space<hbm>> -> memref<10000x128xf32, #tpu.memory_space<hbm>>
      tpu.wait_indirect_dma semaphore(%arg14 : memref<!tpu.dma_semaphore, #tpu.memory_space<semaphore_mem>>) src(%dma_wait3A_534 : memref<10000x128xf32, #tpu.memory_space<hbm>>) dst(%arg8 : memref<128x128xf32, #tpu.memory_space<vmem>>)
      %dma_start3A_535 = arith.constant 6 : i32
      %dma_start3A_536 = arith.constant 1 : i32
      %dma_start3A_537 = arith.constant 0 : i32
      %dma_start3A_538 = arith.constant 0 : i32
      %dma_start3A_539 = arith.constant 0 : i32
      %dma_start3A_540 = tpu.memref_slice %arg7[%rem3A_140, %dma_start3A_537, %dma_start3A_538, %dma_start3A_539] : memref<2x8x3x128xi32, #tpu.memory_space<vmem>> -> memref<1x8x3x128xi32, #tpu.memory_space<vmem>>
      %dma_start3A_541 = tpu.memref_squeeze %dma_start3A_540 : memref<1x8x3x128xi32, #tpu.memory_space<vmem>> -> memref<8x3x128xi32, #tpu.memory_space<vmem>>
      %dma_start3A_542 = arith.constant 0 : i32
      %dma_start3A_543 = tpu.memref_slice %dma_start3A_541[%dma_start3A_535, %dma_start3A_536, %dma_start3A_542] : memref<8x3x128xi32, #tpu.memory_space<vmem>> -> memref<1x1x128xi32, #tpu.memory_space<vmem>>
      %dma_start3A_544 = tpu.memref_squeeze %dma_start3A_543 : memref<1x1x128xi32, #tpu.memory_space<vmem>> -> memref<128xi32, #tpu.memory_space<vmem>>
      %dma_start3A_545 = arith.constant 0 : i32
      %dma_start3A_546 = arith.constant 0 : i32
      %dma_start3A_547 = tpu.memref_slice %arg11[%dma_start3A_545, %dma_start3A_546] : memref<10240x128xf32, #tpu.memory_space<vmem_shared>> -> memref<10240x128xf32, #tpu.memory_space<vmem_shared>>
      tpu.enqueue_indirect_dma source(%arg8 : memref<128x128xf32, #tpu.memory_space<vmem>>) target(%dma_start3A_547 : memref<10240x128xf32, #tpu.memory_space<vmem_shared>>) offsets(%dma_start3A_544 : memref<128xi32, #tpu.memory_space<vmem>>) semaphore(%arg16 : memref<!tpu.dma_semaphore, #tpu.memory_space<semaphore_mem>>) {add = true}
      %dma_wait3A_548 = arith.constant 7 : i32
      %dma_wait3A_549 = arith.constant 0 : i32
      %dma_wait3A_550 = arith.constant 0 : i32
      %dma_wait3A_551 = arith.constant 0 : i32
      %dma_wait3A_552 = arith.constant 0 : i32
      %dma_wait3A_553 = tpu.memref_slice %arg7[%rem3A_140, %dma_wait3A_550, %dma_wait3A_551, %dma_wait3A_552] : memref<2x8x3x128xi32, #tpu.memory_space<vmem>> -> memref<1x8x3x128xi32, #tpu.memory_space<vmem>>
      %dma_wait3A_554 = tpu.memref_squeeze %dma_wait3A_553 : memref<1x8x3x128xi32, #tpu.memory_space<vmem>> -> memref<8x3x128xi32, #tpu.memory_space<vmem>>
      %dma_wait3A_555 = arith.constant 0 : i32
      %dma_wait3A_556 = tpu.memref_slice %dma_wait3A_554[%dma_wait3A_548, %dma_wait3A_549, %dma_wait3A_555] : memref<8x3x128xi32, #tpu.memory_space<vmem>> -> memref<1x1x128xi32, #tpu.memory_space<vmem>>
      %dma_wait3A_557 = tpu.memref_squeeze %dma_wait3A_556 : memref<1x1x128xi32, #tpu.memory_space<vmem>> -> memref<128xi32, #tpu.memory_space<vmem>>
      %dma_wait3A_558 = arith.constant 0 : i32
      %dma_wait3A_559 = arith.constant 0 : i32
      %dma_wait3A_560 = tpu.memref_slice %arg12[%dma_wait3A_558, %dma_wait3A_559] : memref<208x128xf32, #tpu.memory_space<vmem_shared>> -> memref<208x128xf32, #tpu.memory_space<vmem_shared>>
      tpu.wait_indirect_dma semaphore(%arg15 : memref<!tpu.dma_semaphore, #tpu.memory_space<semaphore_mem>>) src(%dma_wait3A_560 : memref<208x128xf32, #tpu.memory_space<vmem_shared>>) dst(%arg9 : memref<128x128xf32, #tpu.memory_space<vmem>>)
      %dma_start3A_561 = arith.constant 7 : i32
      %dma_start3A_562 = arith.constant 1 : i32
      %dma_start3A_563 = arith.constant 0 : i32
      %dma_start3A_564 = arith.constant 0 : i32
      %dma_start3A_565 = arith.constant 0 : i32
      %dma_start3A_566 = tpu.memref_slice %arg7[%rem3A_140, %dma_start3A_563, %dma_start3A_564, %dma_start3A_565] : memref<2x8x3x128xi32, #tpu.memory_space<vmem>> -> memref<1x8x3x128xi32, #tpu.memory_space<vmem>>
      %dma_start3A_567 = tpu.memref_squeeze %dma_start3A_566 : memref<1x8x3x128xi32, #tpu.memory_space<vmem>> -> memref<8x3x128xi32, #tpu.memory_space<vmem>>
      %dma_start3A_568 = arith.constant 0 : i32
      %dma_start3A_569 = tpu.memref_slice %dma_start3A_567[%dma_start3A_561, %dma_start3A_562, %dma_start3A_568] : memref<8x3x128xi32, #tpu.memory_space<vmem>> -> memref<1x1x128xi32, #tpu.memory_space<vmem>>
      %dma_start3A_570 = tpu.memref_squeeze %dma_start3A_569 : memref<1x1x128xi32, #tpu.memory_space<vmem>> -> memref<128xi32, #tpu.memory_space<vmem>>
      %dma_start3A_571 = arith.constant 0 : i32
      %dma_start3A_572 = arith.constant 0 : i32
      %dma_start3A_573 = tpu.memref_slice %arg11[%dma_start3A_571, %dma_start3A_572] : memref<10240x128xf32, #tpu.memory_space<vmem_shared>> -> memref<10240x128xf32, #tpu.memory_space<vmem_shared>>
      tpu.enqueue_indirect_dma source(%arg9 : memref<128x128xf32, #tpu.memory_space<vmem>>) target(%dma_start3A_573 : memref<10240x128xf32, #tpu.memory_space<vmem_shared>>) offsets(%dma_start3A_570 : memref<128xi32, #tpu.memory_space<vmem>>) semaphore(%arg17 : memref<!tpu.dma_semaphore, #tpu.memory_space<semaphore_mem>>) {add = true}
      %dma_wait3A_574 = arith.constant 6 : i32
      %dma_wait3A_575 = arith.constant 1 : i32
      %dma_wait3A_576 = arith.constant 0 : i32
      %dma_wait3A_577 = arith.constant 0 : i32
      %dma_wait3A_578 = arith.constant 0 : i32
      %dma_wait3A_579 = tpu.memref_slice %arg7[%rem3A_140, %dma_wait3A_576, %dma_wait3A_577, %dma_wait3A_578] : memref<2x8x3x128xi32, #tpu.memory_space<vmem>> -> memref<1x8x3x128xi32, #tpu.memory_space<vmem>>
      %dma_wait3A_580 = tpu.memref_squeeze %dma_wait3A_579 : memref<1x8x3x128xi32, #tpu.memory_space<vmem>> -> memref<8x3x128xi32, #tpu.memory_space<vmem>>
      %dma_wait3A_581 = arith.constant 0 : i32
      %dma_wait3A_582 = tpu.memref_slice %dma_wait3A_580[%dma_wait3A_574, %dma_wait3A_575, %dma_wait3A_581] : memref<8x3x128xi32, #tpu.memory_space<vmem>> -> memref<1x1x128xi32, #tpu.memory_space<vmem>>
      %dma_wait3A_583 = tpu.memref_squeeze %dma_wait3A_582 : memref<1x1x128xi32, #tpu.memory_space<vmem>> -> memref<128xi32, #tpu.memory_space<vmem>>
      %dma_wait3A_584 = arith.constant 0 : i32
      %dma_wait3A_585 = arith.constant 0 : i32
      %dma_wait3A_586 = tpu.memref_slice %arg11[%dma_wait3A_584, %dma_wait3A_585] : memref<10240x128xf32, #tpu.memory_space<vmem_shared>> -> memref<10240x128xf32, #tpu.memory_space<vmem_shared>>
      tpu.wait_indirect_dma semaphore(%arg16 : memref<!tpu.dma_semaphore, #tpu.memory_space<semaphore_mem>>) src(%arg8 : memref<128x128xf32, #tpu.memory_space<vmem>>) dst(%dma_wait3A_586 : memref<10240x128xf32, #tpu.memory_space<vmem_shared>>)
      %dma_wait3A_587 = arith.constant 7 : i32
      %dma_wait3A_588 = arith.constant 1 : i32
      %dma_wait3A_589 = arith.constant 0 : i32
      %dma_wait3A_590 = arith.constant 0 : i32
      %dma_wait3A_591 = arith.constant 0 : i32
      %dma_wait3A_592 = tpu.memref_slice %arg7[%rem3A_140, %dma_wait3A_589, %dma_wait3A_590, %dma_wait3A_591] : memref<2x8x3x128xi32, #tpu.memory_space<vmem>> -> memref<1x8x3x128xi32, #tpu.memory_space<vmem>>
      %dma_wait3A_593 = tpu.memref_squeeze %dma_wait3A_592 : memref<1x8x3x128xi32, #tpu.memory_space<vmem>> -> memref<8x3x128xi32, #tpu.memory_space<vmem>>
      %dma_wait3A_594 = arith.constant 0 : i32
      %dma_wait3A_595 = tpu.memref_slice %dma_wait3A_593[%dma_wait3A_587, %dma_wait3A_588, %dma_wait3A_594] : memref<8x3x128xi32, #tpu.memory_space<vmem>> -> memref<1x1x128xi32, #tpu.memory_space<vmem>>
      %dma_wait3A_596 = tpu.memref_squeeze %dma_wait3A_595 : memref<1x1x128xi32, #tpu.memory_space<vmem>> -> memref<128xi32, #tpu.memory_space<vmem>>
      %dma_wait3A_597 = arith.constant 0 : i32
      %dma_wait3A_598 = arith.constant 0 : i32
      %dma_wait3A_599 = tpu.memref_slice %arg11[%dma_wait3A_597, %dma_wait3A_598] : memref<10240x128xf32, #tpu.memory_space<vmem_shared>> -> memref<10240x128xf32, #tpu.memory_space<vmem_shared>>
      tpu.wait_indirect_dma semaphore(%arg17 : memref<!tpu.dma_semaphore, #tpu.memory_space<semaphore_mem>>) src(%arg9 : memref<128x128xf32, #tpu.memory_space<vmem>>) dst(%dma_wait3A_599 : memref<10240x128xf32, #tpu.memory_space<vmem_shared>>)
      %scan3A_600 = arith.constant 0 : i32
      scf.yield %scan3A_600 : i32
    }
    %scan3A_107 = arith.constant 20 : i32
    %rem3A = arith.constant 20 : i32
    %rem3A_108 = arith.constant 2 : i32
    %rem3A_109 = arith.remsi %rem3A, %rem3A_108 : i32
    %dma_wait3A = arith.constant 0 : i32
    %dma_wait3A_110 = arith.constant 0 : i32
    %dma_wait3A_111 = arith.constant 0 : i32
    %dma_wait3A_112 = tpu.memref_slice %arg7[%rem3A_109, %dma_wait3A, %dma_wait3A_110, %dma_wait3A_111] : memref<2x8x3x128xi32, #tpu.memory_space<vmem>> -> memref<1x8x3x128xi32, #tpu.memory_space<vmem>>
    %dma_wait3A_113 = tpu.memref_squeeze %dma_wait3A_112 : memref<1x8x3x128xi32, #tpu.memory_space<vmem>> -> memref<8x3x128xi32, #tpu.memory_space<vmem>>
    %dma_wait3A_114 = arith.constant 160 : i32
    %dma_wait3A_115 = arith.constant 0 : i32
    %dma_wait3A_116 = arith.constant 0 : i32
    %dma_wait3A_117 = tpu.memref_slice %arg4[%add3A, %dma_wait3A_114, %dma_wait3A_115, %dma_wait3A_116] : memref<32x168x3x128xi32, #tpu.memory_space<hbm>> -> memref<1x8x3x128xi32, #tpu.memory_space<hbm>>
    %dma_wait3A_118 = tpu.memref_squeeze %dma_wait3A_117 : memref<1x8x3x128xi32, #tpu.memory_space<hbm>> -> memref<8x3x128xi32, #tpu.memory_space<hbm>>
    %dma_wait3A_119 = arith.constant 0 : i32
    %dma_wait3A_120 = arith.constant 0 : i32
    %dma_wait3A_121 = arith.constant 0 : i32
    %dma_wait3A_122 = tpu.memref_slice %arg7[%rem3A_109, %dma_wait3A_119, %dma_wait3A_120, %dma_wait3A_121] : memref<2x8x3x128xi32, #tpu.memory_space<vmem>> -> memref<1x8x3x128xi32, #tpu.memory_space<vmem>>
    %dma_wait3A_123 = tpu.memref_squeeze %dma_wait3A_122 : memref<1x8x3x128xi32, #tpu.memory_space<vmem>> -> memref<8x3x128xi32, #tpu.memory_space<vmem>>
    %dma_wait3A_124 = arith.constant 160 : i32
    %dma_wait3A_125 = arith.constant 0 : i32
    %dma_wait3A_126 = arith.constant 0 : i32
    %dma_wait3A_127 = tpu.memref_slice %arg4[%add3A, %dma_wait3A_124, %dma_wait3A_125, %dma_wait3A_126] : memref<32x168x3x128xi32, #tpu.memory_space<hbm>> -> memref<1x8x3x128xi32, #tpu.memory_space<hbm>>
    %dma_wait3A_128 = tpu.memref_squeeze %dma_wait3A_127 : memref<1x8x3x128xi32, #tpu.memory_space<hbm>> -> memref<8x3x128xi32, #tpu.memory_space<hbm>>
    tpu.wait_dma2 semaphore(%arg19 : memref<!tpu.dma_semaphore, #tpu.memory_space<semaphore_mem>>) src(%dma_wait3A_128 : memref<8x3x128xi32, #tpu.memory_space<hbm>>) dst(%dma_wait3A_123 : memref<8x3x128xi32, #tpu.memory_space<vmem>>)
    %scan3A_129 = arith.constant 0 : i32
    %scan3A_130 = arith.constant 0 : i32
    %scan3A_131 = arith.constant 10 : i32
    %scan3A_132 = arith.addi %scan3A_130, %scan3A_131 : i32
    %scan3A_133 = arith.constant 1 : i32
    %scan3A_134 = scf.for %scan3A_137 = %scan3A_130 to %scan3A_132 step %scan3A_133 iter_args(%scan3A_138 = %scan3A_129) -> (i32)  : i32 {
      %rem3A_139 = arith.constant 2 : i32
      %rem3A_140 = arith.remsi %scan3A_137, %rem3A_139 : i32
      %mul3A_141 = arith.constant 8 : i32
      %mul3A_142 = arith.muli %scan3A_137, %mul3A_141 : i32
      "tpu.region"() ({
        %run_scoped3A_336 = tpu.sem_alloc : memref<!tpu.dma_semaphore, #tpu.memory_space<semaphore_mem>>
        %dma_start3A_337 = arith.constant 0 : i32
        %dma_start3A_338 = arith.constant 0 : i32
        %dma_start3A_339 = arith.constant 0 : i32
        %dma_start3A_340 = tpu.memref_slice %arg7[%rem3A_140, %dma_start3A_337, %dma_start3A_338, %dma_start3A_339] : memref<2x8x3x128xi32, #tpu.memory_space<vmem>> -> memref<1x8x3x128xi32, #tpu.memory_space<vmem>>
        %dma_start3A_341 = tpu.memref_squeeze %dma_start3A_340 : memref<1x8x3x128xi32, #tpu.memory_space<vmem>> -> memref<8x3x128xi32, #tpu.memory_space<vmem>>
        %dma_start3A_342 = arith.constant 0 : i32
        %dma_start3A_343 = arith.constant 0 : i32
        %dma_start3A_344 = tpu.memref_slice %arg4[%add3A, %mul3A_142, %dma_start3A_342, %dma_start3A_343] : memref<32x168x3x128xi32, #tpu.memory_space<hbm>> -> memref<1x8x3x128xi32, #tpu.memory_space<hbm>>
        %dma_start3A_345 = tpu.memref_squeeze %dma_start3A_344 : memref<1x8x3x128xi32, #tpu.memory_space<hbm>> -> memref<8x3x128xi32, #tpu.memory_space<hbm>>
        %dma_start3A_346 = arith.constant 0 : i32
        %dma_start3A_347 = arith.constant 0 : i32
        %dma_start3A_348 = arith.constant 0 : i32
        %dma_start3A_349 = tpu.memref_slice %arg7[%rem3A_140, %dma_start3A_346, %dma_start3A_347, %dma_start3A_348] : memref<2x8x3x128xi32, #tpu.memory_space<vmem>> -> memref<1x8x3x128xi32, #tpu.memory_space<vmem>>
        %dma_start3A_350 = tpu.memref_squeeze %dma_start3A_349 : memref<1x8x3x128xi32, #tpu.memory_space<vmem>> -> memref<8x3x128xi32, #tpu.memory_space<vmem>>
        %dma_start3A_351 = arith.constant 0 : i32
        %dma_start3A_352 = arith.constant 0 : i32
        %dma_start3A_353 = tpu.memref_slice %arg4[%add3A, %mul3A_142, %dma_start3A_351, %dma_start3A_352] : memref<32x168x3x128xi32, #tpu.memory_space<hbm>> -> memref<1x8x3x128xi32, #tpu.memory_space<hbm>>
        %dma_start3A_354 = tpu.memref_squeeze %dma_start3A_353 : memref<1x8x3x128xi32, #tpu.memory_space<hbm>> -> memref<8x3x128xi32, #tpu.memory_space<hbm>>
        tpu.enqueue_dma source(%dma_start3A_354 : memref<8x3x128xi32, #tpu.memory_space<hbm>>) target(%dma_start3A_350 : memref<8x3x128xi32, #tpu.memory_space<vmem>>) target_semaphore(%run_scoped3A_336 : memref<!tpu.dma_semaphore, #tpu.memory_space<semaphore_mem>>)
        %dma_wait3A_355 = arith.constant 0 : i32
        %dma_wait3A_356 = arith.constant 0 : i32
        %dma_wait3A_357 = arith.constant 0 : i32
        %dma_wait3A_358 = tpu.memref_slice %arg7[%rem3A_140, %dma_wait3A_355, %dma_wait3A_356, %dma_wait3A_357] : memref<2x8x3x128xi32, #tpu.memory_space<vmem>> -> memref<1x8x3x128xi32, #tpu.memory_space<vmem>>
        %dma_wait3A_359 = tpu.memref_squeeze %dma_wait3A_358 : memref<1x8x3x128xi32, #tpu.memory_space<vmem>> -> memref<8x3x128xi32, #tpu.memory_space<vmem>>
        %dma_wait3A_360 = arith.constant 0 : i32
        %dma_wait3A_361 = arith.constant 0 : i32
        %dma_wait3A_362 = tpu.memref_slice %arg4[%add3A, %mul3A_142, %dma_wait3A_360, %dma_wait3A_361] : memref<32x168x3x128xi32, #tpu.memory_space<hbm>> -> memref<1x8x3x128xi32, #tpu.memory_space<hbm>>
        %dma_wait3A_363 = tpu.memref_squeeze %dma_wait3A_362 : memref<1x8x3x128xi32, #tpu.memory_space<hbm>> -> memref<8x3x128xi32, #tpu.memory_space<hbm>>
        %dma_wait3A_364 = arith.constant 0 : i32
        %dma_wait3A_365 = arith.constant 0 : i32
        %dma_wait3A_366 = arith.constant 0 : i32
        %dma_wait3A_367 = tpu.memref_slice %arg7[%rem3A_140, %dma_wait3A_364, %dma_wait3A_365, %dma_wait3A_366] : memref<2x8x3x128xi32, #tpu.memory_space<vmem>> -> memref<1x8x3x128xi32, #tpu.memory_space<vmem>>
        %dma_wait3A_368 = tpu.memref_squeeze %dma_wait3A_367 : memref<1x8x3x128xi32, #tpu.memory_space<vmem>> -> memref<8x3x128xi32, #tpu.memory_space<vmem>>
        %dma_wait3A_369 = arith.constant 0 : i32
        %dma_wait3A_370 = arith.constant 0 : i32
        %dma_wait3A_371 = tpu.memref_slice %arg4[%add3A, %mul3A_142, %dma_wait3A_369, %dma_wait3A_370] : memref<32x168x3x128xi32, #tpu.memory_space<hbm>> -> memref<1x8x3x128xi32, #tpu.memory_space<hbm>>
        %dma_wait3A_372 = tpu.memref_squeeze %dma_wait3A_371 : memref<1x8x3x128xi32, #tpu.memory_space<hbm>> -> memref<8x3x128xi32, #tpu.memory_space<hbm>>
        tpu.wait_dma2 semaphore(%run_scoped3A_336 : memref<!tpu.dma_semaphore, #tpu.memory_space<semaphore_mem>>) src(%dma_wait3A_372 : memref<8x3x128xi32, #tpu.memory_space<hbm>>) dst(%dma_wait3A_368 : memref<8x3x128xi32, #tpu.memory_space<vmem>>)
        tpu.yield
      }) : () -> ()
      %dma_start3A_143 = arith.constant 0 : i32
      %dma_start3A_144 = arith.constant 2 : i32
      %dma_start3A_145 = arith.constant 0 : i32
      %dma_start3A_146 = arith.constant 0 : i32
      %dma_start3A_147 = arith.constant 0 : i32
      %dma_start3A_148 = tpu.memref_slice %arg7[%rem3A_140, %dma_start3A_145, %dma_start3A_146, %dma_start3A_147] : memref<2x8x3x128xi32, #tpu.memory_space<vmem>> -> memref<1x8x3x128xi32, #tpu.memory_space<vmem>>
      %dma_start3A_149 = tpu.memref_squeeze %dma_start3A_148 : memref<1x8x3x128xi32, #tpu.memory_space<vmem>> -> memref<8x3x128xi32, #tpu.memory_space<vmem>>
      %dma_start3A_150 = arith.constant 0 : i32
      %dma_start3A_151 = tpu.memref_slice %dma_start3A_149[%dma_start3A_143, %dma_start3A_144, %dma_start3A_150] : memref<8x3x128xi32, #tpu.memory_space<vmem>> -> memref<1x1x128xi32, #tpu.memory_space<vmem>>
      %dma_start3A_152 = tpu.memref_squeeze %dma_start3A_151 : memref<1x1x128xi32, #tpu.memory_space<vmem>> -> memref<128xi32, #tpu.memory_space<vmem>>
      %dma_start3A_153 = arith.constant 0 : i32
      %dma_start3A_154 = tpu.memref_slice %arg13[%dma_start3A_153] : memref<10240xf32, #tpu.memory_space<vmem_shared>> -> memref<10240xf32, #tpu.memory_space<vmem_shared>>
      tpu.enqueue_indirect_dma source(%arg10 : memref<128xf32, #tpu.memory_space<vmem>>) target(%dma_start3A_154 : memref<10240xf32, #tpu.memory_space<vmem_shared>>) offsets(%dma_start3A_152 : memref<128xi32, #tpu.memory_space<vmem>>) semaphore(%arg18 : memref<!tpu.dma_semaphore, #tpu.memory_space<semaphore_mem>>) {add = true}
      %dma_start3A_155 = arith.constant 1 : i32
      %dma_start3A_156 = arith.constant 2 : i32
      %dma_start3A_157 = arith.constant 0 : i32
      %dma_start3A_158 = arith.constant 0 : i32
      %dma_start3A_159 = arith.constant 0 : i32
      %dma_start3A_160 = tpu.memref_slice %arg7[%rem3A_140, %dma_start3A_157, %dma_start3A_158, %dma_start3A_159] : memref<2x8x3x128xi32, #tpu.memory_space<vmem>> -> memref<1x8x3x128xi32, #tpu.memory_space<vmem>>
      %dma_start3A_161 = tpu.memref_squeeze %dma_start3A_160 : memref<1x8x3x128xi32, #tpu.memory_space<vmem>> -> memref<8x3x128xi32, #tpu.memory_space<vmem>>
      %dma_start3A_162 = arith.constant 0 : i32
      %dma_start3A_163 = tpu.memref_slice %dma_start3A_161[%dma_start3A_155, %dma_start3A_156, %dma_start3A_162] : memref<8x3x128xi32, #tpu.memory_space<vmem>> -> memref<1x1x128xi32, #tpu.memory_space<vmem>>
      %dma_start3A_164 = tpu.memref_squeeze %dma_start3A_163 : memref<1x1x128xi32, #tpu.memory_space<vmem>> -> memref<128xi32, #tpu.memory_space<vmem>>
      %dma_start3A_165 = arith.constant 0 : i32
      %dma_start3A_166 = tpu.memref_slice %arg13[%dma_start3A_165] : memref<10240xf32, #tpu.memory_space<vmem_shared>> -> memref<10240xf32, #tpu.memory_space<vmem_shared>>
      tpu.enqueue_indirect_dma source(%arg10 : memref<128xf32, #tpu.memory_space<vmem>>) target(%dma_start3A_166 : memref<10240xf32, #tpu.memory_space<vmem_shared>>) offsets(%dma_start3A_164 : memref<128xi32, #tpu.memory_space<vmem>>) semaphore(%arg18 : memref<!tpu.dma_semaphore, #tpu.memory_space<semaphore_mem>>) {add = true}
      %dma_start3A_167 = arith.constant 2 : i32
      %dma_start3A_168 = arith.constant 2 : i32
      %dma_start3A_169 = arith.constant 0 : i32
      %dma_start3A_170 = arith.constant 0 : i32
      %dma_start3A_171 = arith.constant 0 : i32
      %dma_start3A_172 = tpu.memref_slice %arg7[%rem3A_140, %dma_start3A_169, %dma_start3A_170, %dma_start3A_171] : memref<2x8x3x128xi32, #tpu.memory_space<vmem>> -> memref<1x8x3x128xi32, #tpu.memory_space<vmem>>
      %dma_start3A_173 = tpu.memref_squeeze %dma_start3A_172 : memref<1x8x3x128xi32, #tpu.memory_space<vmem>> -> memref<8x3x128xi32, #tpu.memory_space<vmem>>
      %dma_start3A_174 = arith.constant 0 : i32
      %dma_start3A_175 = tpu.memref_slice %dma_start3A_173[%dma_start3A_167, %dma_start3A_168, %dma_start3A_174] : memref<8x3x128xi32, #tpu.memory_space<vmem>> -> memref<1x1x128xi32, #tpu.memory_space<vmem>>
      %dma_start3A_176 = tpu.memref_squeeze %dma_start3A_175 : memref<1x1x128xi32, #tpu.memory_space<vmem>> -> memref<128xi32, #tpu.memory_space<vmem>>
      %dma_start3A_177 = arith.constant 0 : i32
      %dma_start3A_178 = tpu.memref_slice %arg13[%dma_start3A_177] : memref<10240xf32, #tpu.memory_space<vmem_shared>> -> memref<10240xf32, #tpu.memory_space<vmem_shared>>
      tpu.enqueue_indirect_dma source(%arg10 : memref<128xf32, #tpu.memory_space<vmem>>) target(%dma_start3A_178 : memref<10240xf32, #tpu.memory_space<vmem_shared>>) offsets(%dma_start3A_176 : memref<128xi32, #tpu.memory_space<vmem>>) semaphore(%arg18 : memref<!tpu.dma_semaphore, #tpu.memory_space<semaphore_mem>>) {add = true}
      %dma_start3A_179 = arith.constant 3 : i32
      %dma_start3A_180 = arith.constant 2 : i32
      %dma_start3A_181 = arith.constant 0 : i32
      %dma_start3A_182 = arith.constant 0 : i32
      %dma_start3A_183 = arith.constant 0 : i32
      %dma_start3A_184 = tpu.memref_slice %arg7[%rem3A_140, %dma_start3A_181, %dma_start3A_182, %dma_start3A_183] : memref<2x8x3x128xi32, #tpu.memory_space<vmem>> -> memref<1x8x3x128xi32, #tpu.memory_space<vmem>>
      %dma_start3A_185 = tpu.memref_squeeze %dma_start3A_184 : memref<1x8x3x128xi32, #tpu.memory_space<vmem>> -> memref<8x3x128xi32, #tpu.memory_space<vmem>>
      %dma_start3A_186 = arith.constant 0 : i32
      %dma_start3A_187 = tpu.memref_slice %dma_start3A_185[%dma_start3A_179, %dma_start3A_180, %dma_start3A_186] : memref<8x3x128xi32, #tpu.memory_space<vmem>> -> memref<1x1x128xi32, #tpu.memory_space<vmem>>
      %dma_start3A_188 = tpu.memref_squeeze %dma_start3A_187 : memref<1x1x128xi32, #tpu.memory_space<vmem>> -> memref<128xi32, #tpu.memory_space<vmem>>
      %dma_start3A_189 = arith.constant 0 : i32
      %dma_start3A_190 = tpu.memref_slice %arg13[%dma_start3A_189] : memref<10240xf32, #tpu.memory_space<vmem_shared>> -> memref<10240xf32, #tpu.memory_space<vmem_shared>>
      tpu.enqueue_indirect_dma source(%arg10 : memref<128xf32, #tpu.memory_space<vmem>>) target(%dma_start3A_190 : memref<10240xf32, #tpu.memory_space<vmem_shared>>) offsets(%dma_start3A_188 : memref<128xi32, #tpu.memory_space<vmem>>) semaphore(%arg18 : memref<!tpu.dma_semaphore, #tpu.memory_space<semaphore_mem>>) {add = true}
      %dma_start3A_191 = arith.constant 4 : i32
      %dma_start3A_192 = arith.constant 2 : i32
      %dma_start3A_193 = arith.constant 0 : i32
      %dma_start3A_194 = arith.constant 0 : i32
      %dma_start3A_195 = arith.constant 0 : i32
      %dma_start3A_196 = tpu.memref_slice %arg7[%rem3A_140, %dma_start3A_193, %dma_start3A_194, %dma_start3A_195] : memref<2x8x3x128xi32, #tpu.memory_space<vmem>> -> memref<1x8x3x128xi32, #tpu.memory_space<vmem>>
      %dma_start3A_197 = tpu.memref_squeeze %dma_start3A_196 : memref<1x8x3x128xi32, #tpu.memory_space<vmem>> -> memref<8x3x128xi32, #tpu.memory_space<vmem>>
      %dma_start3A_198 = arith.constant 0 : i32
      %dma_start3A_199 = tpu.memref_slice %dma_start3A_197[%dma_start3A_191, %dma_start3A_192, %dma_start3A_198] : memref<8x3x128xi32, #tpu.memory_space<vmem>> -> memref<1x1x128xi32, #tpu.memory_space<vmem>>
      %dma_start3A_200 = tpu.memref_squeeze %dma_start3A_199 : memref<1x1x128xi32, #tpu.memory_space<vmem>> -> memref<128xi32, #tpu.memory_space<vmem>>
      %dma_start3A_201 = arith.constant 0 : i32
      %dma_start3A_202 = tpu.memref_slice %arg13[%dma_start3A_201] : memref<10240xf32, #tpu.memory_space<vmem_shared>> -> memref<10240xf32, #tpu.memory_space<vmem_shared>>
      tpu.enqueue_indirect_dma source(%arg10 : memref<128xf32, #tpu.memory_space<vmem>>) target(%dma_start3A_202 : memref<10240xf32, #tpu.memory_space<vmem_shared>>) offsets(%dma_start3A_200 : memref<128xi32, #tpu.memory_space<vmem>>) semaphore(%arg18 : memref<!tpu.dma_semaphore, #tpu.memory_space<semaphore_mem>>) {add = true}
      %dma_start3A_203 = arith.constant 5 : i32
      %dma_start3A_204 = arith.constant 2 : i32
      %dma_start3A_205 = arith.constant 0 : i32
      %dma_start3A_206 = arith.constant 0 : i32
      %dma_start3A_207 = arith.constant 0 : i32
      %dma_start3A_208 = tpu.memref_slice %arg7[%rem3A_140, %dma_start3A_205, %dma_start3A_206, %dma_start3A_207] : memref<2x8x3x128xi32, #tpu.memory_space<vmem>> -> memref<1x8x3x128xi32, #tpu.memory_space<vmem>>
      %dma_start3A_209 = tpu.memref_squeeze %dma_start3A_208 : memref<1x8x3x128xi32, #tpu.memory_space<vmem>> -> memref<8x3x128xi32, #tpu.memory_space<vmem>>
      %dma_start3A_210 = arith.constant 0 : i32
      %dma_start3A_211 = tpu.memref_slice %dma_start3A_209[%dma_start3A_203, %dma_start3A_204, %dma_start3A_210] : memref<8x3x128xi32, #tpu.memory_space<vmem>> -> memref<1x1x128xi32, #tpu.memory_space<vmem>>
      %dma_start3A_212 = tpu.memref_squeeze %dma_start3A_211 : memref<1x1x128xi32, #tpu.memory_space<vmem>> -> memref<128xi32, #tpu.memory_space<vmem>>
      %dma_start3A_213 = arith.constant 0 : i32
      %dma_start3A_214 = tpu.memref_slice %arg13[%dma_start3A_213] : memref<10240xf32, #tpu.memory_space<vmem_shared>> -> memref<10240xf32, #tpu.memory_space<vmem_shared>>
      tpu.enqueue_indirect_dma source(%arg10 : memref<128xf32, #tpu.memory_space<vmem>>) target(%dma_start3A_214 : memref<10240xf32, #tpu.memory_space<vmem_shared>>) offsets(%dma_start3A_212 : memref<128xi32, #tpu.memory_space<vmem>>) semaphore(%arg18 : memref<!tpu.dma_semaphore, #tpu.memory_space<semaphore_mem>>) {add = true}
      %dma_start3A_215 = arith.constant 6 : i32
      %dma_start3A_216 = arith.constant 2 : i32
      %dma_start3A_217 = arith.constant 0 : i32
      %dma_start3A_218 = arith.constant 0 : i32
      %dma_start3A_219 = arith.constant 0 : i32
      %dma_start3A_220 = tpu.memref_slice %arg7[%rem3A_140, %dma_start3A_217, %dma_start3A_218, %dma_start3A_219] : memref<2x8x3x128xi32, #tpu.memory_space<vmem>> -> memref<1x8x3x128xi32, #tpu.memory_space<vmem>>
      %dma_start3A_221 = tpu.memref_squeeze %dma_start3A_220 : memref<1x8x3x128xi32, #tpu.memory_space<vmem>> -> memref<8x3x128xi32, #tpu.memory_space<vmem>>
      %dma_start3A_222 = arith.constant 0 : i32
      %dma_start3A_223 = tpu.memref_slice %dma_start3A_221[%dma_start3A_215, %dma_start3A_216, %dma_start3A_222] : memref<8x3x128xi32, #tpu.memory_space<vmem>> -> memref<1x1x128xi32, #tpu.memory_space<vmem>>
      %dma_start3A_224 = tpu.memref_squeeze %dma_start3A_223 : memref<1x1x128xi32, #tpu.memory_space<vmem>> -> memref<128xi32, #tpu.memory_space<vmem>>
      %dma_start3A_225 = arith.constant 0 : i32
      %dma_start3A_226 = tpu.memref_slice %arg13[%dma_start3A_225] : memref<10240xf32, #tpu.memory_space<vmem_shared>> -> memref<10240xf32, #tpu.memory_space<vmem_shared>>
      tpu.enqueue_indirect_dma source(%arg10 : memref<128xf32, #tpu.memory_space<vmem>>) target(%dma_start3A_226 : memref<10240xf32, #tpu.memory_space<vmem_shared>>) offsets(%dma_start3A_224 : memref<128xi32, #tpu.memory_space<vmem>>) semaphore(%arg18 : memref<!tpu.dma_semaphore, #tpu.memory_space<semaphore_mem>>) {add = true}
      %dma_start3A_227 = arith.constant 7 : i32
      %dma_start3A_228 = arith.constant 2 : i32
      %dma_start3A_229 = arith.constant 0 : i32
      %dma_start3A_230 = arith.constant 0 : i32
      %dma_start3A_231 = arith.constant 0 : i32
      %dma_start3A_232 = tpu.memref_slice %arg7[%rem3A_140, %dma_start3A_229, %dma_start3A_230, %dma_start3A_231] : memref<2x8x3x128xi32, #tpu.memory_space<vmem>> -> memref<1x8x3x128xi32, #tpu.memory_space<vmem>>
      %dma_start3A_233 = tpu.memref_squeeze %dma_start3A_232 : memref<1x8x3x128xi32, #tpu.memory_space<vmem>> -> memref<8x3x128xi32, #tpu.memory_space<vmem>>
      %dma_start3A_234 = arith.constant 0 : i32
      %dma_start3A_235 = tpu.memref_slice %dma_start3A_233[%dma_start3A_227, %dma_start3A_228, %dma_start3A_234] : memref<8x3x128xi32, #tpu.memory_space<vmem>> -> memref<1x1x128xi32, #tpu.memory_space<vmem>>
      %dma_start3A_236 = tpu.memref_squeeze %dma_start3A_235 : memref<1x1x128xi32, #tpu.memory_space<vmem>> -> memref<128xi32, #tpu.memory_space<vmem>>
      %dma_start3A_237 = arith.constant 0 : i32
      %dma_start3A_238 = tpu.memref_slice %arg13[%dma_start3A_237] : memref<10240xf32, #tpu.memory_space<vmem_shared>> -> memref<10240xf32, #tpu.memory_space<vmem_shared>>
      tpu.enqueue_indirect_dma source(%arg10 : memref<128xf32, #tpu.memory_space<vmem>>) target(%dma_start3A_238 : memref<10240xf32, #tpu.memory_space<vmem_shared>>) offsets(%dma_start3A_236 : memref<128xi32, #tpu.memory_space<vmem>>) semaphore(%arg18 : memref<!tpu.dma_semaphore, #tpu.memory_space<semaphore_mem>>) {add = true}
      %dma_wait3A_239 = arith.constant 0 : i32
      %dma_wait3A_240 = arith.constant 2 : i32
      %dma_wait3A_241 = arith.constant 0 : i32
      %dma_wait3A_242 = arith.constant 0 : i32
      %dma_wait3A_243 = arith.constant 0 : i32
      %dma_wait3A_244 = tpu.memref_slice %arg7[%rem3A_140, %dma_wait3A_241, %dma_wait3A_242, %dma_wait3A_243] : memref<2x8x3x128xi32, #tpu.memory_space<vmem>> -> memref<1x8x3x128xi32, #tpu.memory_space<vmem>>
      %dma_wait3A_245 = tpu.memref_squeeze %dma_wait3A_244 : memref<1x8x3x128xi32, #tpu.memory_space<vmem>> -> memref<8x3x128xi32, #tpu.memory_space<vmem>>
      %dma_wait3A_246 = arith.constant 0 : i32
      %dma_wait3A_247 = tpu.memref_slice %dma_wait3A_245[%dma_wait3A_239, %dma_wait3A_240, %dma_wait3A_246] : memref<8x3x128xi32, #tpu.memory_space<vmem>> -> memref<1x1x128xi32, #tpu.memory_space<vmem>>
      %dma_wait3A_248 = tpu.memref_squeeze %dma_wait3A_247 : memref<1x1x128xi32, #tpu.memory_space<vmem>> -> memref<128xi32, #tpu.memory_space<vmem>>
      %dma_wait3A_249 = arith.constant 0 : i32
      %dma_wait3A_250 = tpu.memref_slice %arg13[%dma_wait3A_249] : memref<10240xf32, #tpu.memory_space<vmem_shared>> -> memref<10240xf32, #tpu.memory_space<vmem_shared>>
      tpu.wait_indirect_dma semaphore(%arg18 : memref<!tpu.dma_semaphore, #tpu.memory_space<semaphore_mem>>) src(%arg10 : memref<128xf32, #tpu.memory_space<vmem>>) dst(%dma_wait3A_250 : memref<10240xf32, #tpu.memory_space<vmem_shared>>)
      %dma_wait3A_251 = arith.constant 1 : i32
      %dma_wait3A_252 = arith.constant 2 : i32
      %dma_wait3A_253 = arith.constant 0 : i32
      %dma_wait3A_254 = arith.constant 0 : i32
      %dma_wait3A_255 = arith.constant 0 : i32
      %dma_wait3A_256 = tpu.memref_slice %arg7[%rem3A_140, %dma_wait3A_253, %dma_wait3A_254, %dma_wait3A_255] : memref<2x8x3x128xi32, #tpu.memory_space<vmem>> -> memref<1x8x3x128xi32, #tpu.memory_space<vmem>>
      %dma_wait3A_257 = tpu.memref_squeeze %dma_wait3A_256 : memref<1x8x3x128xi32, #tpu.memory_space<vmem>> -> memref<8x3x128xi32, #tpu.memory_space<vmem>>
      %dma_wait3A_258 = arith.constant 0 : i32
      %dma_wait3A_259 = tpu.memref_slice %dma_wait3A_257[%dma_wait3A_251, %dma_wait3A_252, %dma_wait3A_258] : memref<8x3x128xi32, #tpu.memory_space<vmem>> -> memref<1x1x128xi32, #tpu.memory_space<vmem>>
      %dma_wait3A_260 = tpu.memref_squeeze %dma_wait3A_259 : memref<1x1x128xi32, #tpu.memory_space<vmem>> -> memref<128xi32, #tpu.memory_space<vmem>>
      %dma_wait3A_261 = arith.constant 0 : i32
      %dma_wait3A_262 = tpu.memref_slice %arg13[%dma_wait3A_261] : memref<10240xf32, #tpu.memory_space<vmem_shared>> -> memref<10240xf32, #tpu.memory_space<vmem_shared>>
      tpu.wait_indirect_dma semaphore(%arg18 : memref<!tpu.dma_semaphore, #tpu.memory_space<semaphore_mem>>) src(%arg10 : memref<128xf32, #tpu.memory_space<vmem>>) dst(%dma_wait3A_262 : memref<10240xf32, #tpu.memory_space<vmem_shared>>)
      %dma_wait3A_263 = arith.constant 2 : i32
      %dma_wait3A_264 = arith.constant 2 : i32
      %dma_wait3A_265 = arith.constant 0 : i32
      %dma_wait3A_266 = arith.constant 0 : i32
      %dma_wait3A_267 = arith.constant 0 : i32
      %dma_wait3A_268 = tpu.memref_slice %arg7[%rem3A_140, %dma_wait3A_265, %dma_wait3A_266, %dma_wait3A_267] : memref<2x8x3x128xi32, #tpu.memory_space<vmem>> -> memref<1x8x3x128xi32, #tpu.memory_space<vmem>>
      %dma_wait3A_269 = tpu.memref_squeeze %dma_wait3A_268 : memref<1x8x3x128xi32, #tpu.memory_space<vmem>> -> memref<8x3x128xi32, #tpu.memory_space<vmem>>
      %dma_wait3A_270 = arith.constant 0 : i32
      %dma_wait3A_271 = tpu.memref_slice %dma_wait3A_269[%dma_wait3A_263, %dma_wait3A_264, %dma_wait3A_270] : memref<8x3x128xi32, #tpu.memory_space<vmem>> -> memref<1x1x128xi32, #tpu.memory_space<vmem>>
      %dma_wait3A_272 = tpu.memref_squeeze %dma_wait3A_271 : memref<1x1x128xi32, #tpu.memory_space<vmem>> -> memref<128xi32, #tpu.memory_space<vmem>>
      %dma_wait3A_273 = arith.constant 0 : i32
      %dma_wait3A_274 = tpu.memref_slice %arg13[%dma_wait3A_273] : memref<10240xf32, #tpu.memory_space<vmem_shared>> -> memref<10240xf32, #tpu.memory_space<vmem_shared>>
      tpu.wait_indirect_dma semaphore(%arg18 : memref<!tpu.dma_semaphore, #tpu.memory_space<semaphore_mem>>) src(%arg10 : memref<128xf32, #tpu.memory_space<vmem>>) dst(%dma_wait3A_274 : memref<10240xf32, #tpu.memory_space<vmem_shared>>)
      %dma_wait3A_275 = arith.constant 3 : i32
      %dma_wait3A_276 = arith.constant 2 : i32
      %dma_wait3A_277 = arith.constant 0 : i32
      %dma_wait3A_278 = arith.constant 0 : i32
      %dma_wait3A_279 = arith.constant 0 : i32
      %dma_wait3A_280 = tpu.memref_slice %arg7[%rem3A_140, %dma_wait3A_277, %dma_wait3A_278, %dma_wait3A_279] : memref<2x8x3x128xi32, #tpu.memory_space<vmem>> -> memref<1x8x3x128xi32, #tpu.memory_space<vmem>>
      %dma_wait3A_281 = tpu.memref_squeeze %dma_wait3A_280 : memref<1x8x3x128xi32, #tpu.memory_space<vmem>> -> memref<8x3x128xi32, #tpu.memory_space<vmem>>
      %dma_wait3A_282 = arith.constant 0 : i32
      %dma_wait3A_283 = tpu.memref_slice %dma_wait3A_281[%dma_wait3A_275, %dma_wait3A_276, %dma_wait3A_282] : memref<8x3x128xi32, #tpu.memory_space<vmem>> -> memref<1x1x128xi32, #tpu.memory_space<vmem>>
      %dma_wait3A_284 = tpu.memref_squeeze %dma_wait3A_283 : memref<1x1x128xi32, #tpu.memory_space<vmem>> -> memref<128xi32, #tpu.memory_space<vmem>>
      %dma_wait3A_285 = arith.constant 0 : i32
      %dma_wait3A_286 = tpu.memref_slice %arg13[%dma_wait3A_285] : memref<10240xf32, #tpu.memory_space<vmem_shared>> -> memref<10240xf32, #tpu.memory_space<vmem_shared>>
      tpu.wait_indirect_dma semaphore(%arg18 : memref<!tpu.dma_semaphore, #tpu.memory_space<semaphore_mem>>) src(%arg10 : memref<128xf32, #tpu.memory_space<vmem>>) dst(%dma_wait3A_286 : memref<10240xf32, #tpu.memory_space<vmem_shared>>)
      %dma_wait3A_287 = arith.constant 4 : i32
      %dma_wait3A_288 = arith.constant 2 : i32
      %dma_wait3A_289 = arith.constant 0 : i32
      %dma_wait3A_290 = arith.constant 0 : i32
      %dma_wait3A_291 = arith.constant 0 : i32
      %dma_wait3A_292 = tpu.memref_slice %arg7[%rem3A_140, %dma_wait3A_289, %dma_wait3A_290, %dma_wait3A_291] : memref<2x8x3x128xi32, #tpu.memory_space<vmem>> -> memref<1x8x3x128xi32, #tpu.memory_space<vmem>>
      %dma_wait3A_293 = tpu.memref_squeeze %dma_wait3A_292 : memref<1x8x3x128xi32, #tpu.memory_space<vmem>> -> memref<8x3x128xi32, #tpu.memory_space<vmem>>
      %dma_wait3A_294 = arith.constant 0 : i32
      %dma_wait3A_295 = tpu.memref_slice %dma_wait3A_293[%dma_wait3A_287, %dma_wait3A_288, %dma_wait3A_294] : memref<8x3x128xi32, #tpu.memory_space<vmem>> -> memref<1x1x128xi32, #tpu.memory_space<vmem>>
      %dma_wait3A_296 = tpu.memref_squeeze %dma_wait3A_295 : memref<1x1x128xi32, #tpu.memory_space<vmem>> -> memref<128xi32, #tpu.memory_space<vmem>>
      %dma_wait3A_297 = arith.constant 0 : i32
      %dma_wait3A_298 = tpu.memref_slice %arg13[%dma_wait3A_297] : memref<10240xf32, #tpu.memory_space<vmem_shared>> -> memref<10240xf32, #tpu.memory_space<vmem_shared>>
      tpu.wait_indirect_dma semaphore(%arg18 : memref<!tpu.dma_semaphore, #tpu.memory_space<semaphore_mem>>) src(%arg10 : memref<128xf32, #tpu.memory_space<vmem>>) dst(%dma_wait3A_298 : memref<10240xf32, #tpu.memory_space<vmem_shared>>)
      %dma_wait3A_299 = arith.constant 5 : i32
      %dma_wait3A_300 = arith.constant 2 : i32
      %dma_wait3A_301 = arith.constant 0 : i32
      %dma_wait3A_302 = arith.constant 0 : i32
      %dma_wait3A_303 = arith.constant 0 : i32
      %dma_wait3A_304 = tpu.memref_slice %arg7[%rem3A_140, %dma_wait3A_301, %dma_wait3A_302, %dma_wait3A_303] : memref<2x8x3x128xi32, #tpu.memory_space<vmem>> -> memref<1x8x3x128xi32, #tpu.memory_space<vmem>>
      %dma_wait3A_305 = tpu.memref_squeeze %dma_wait3A_304 : memref<1x8x3x128xi32, #tpu.memory_space<vmem>> -> memref<8x3x128xi32, #tpu.memory_space<vmem>>
      %dma_wait3A_306 = arith.constant 0 : i32
      %dma_wait3A_307 = tpu.memref_slice %dma_wait3A_305[%dma_wait3A_299, %dma_wait3A_300, %dma_wait3A_306] : memref<8x3x128xi32, #tpu.memory_space<vmem>> -> memref<1x1x128xi32, #tpu.memory_space<vmem>>
      %dma_wait3A_308 = tpu.memref_squeeze %dma_wait3A_307 : memref<1x1x128xi32, #tpu.memory_space<vmem>> -> memref<128xi32, #tpu.memory_space<vmem>>
      %dma_wait3A_309 = arith.constant 0 : i32
      %dma_wait3A_310 = tpu.memref_slice %arg13[%dma_wait3A_309] : memref<10240xf32, #tpu.memory_space<vmem_shared>> -> memref<10240xf32, #tpu.memory_space<vmem_shared>>
      tpu.wait_indirect_dma semaphore(%arg18 : memref<!tpu.dma_semaphore, #tpu.memory_space<semaphore_mem>>) src(%arg10 : memref<128xf32, #tpu.memory_space<vmem>>) dst(%dma_wait3A_310 : memref<10240xf32, #tpu.memory_space<vmem_shared>>)
      %dma_wait3A_311 = arith.constant 6 : i32
      %dma_wait3A_312 = arith.constant 2 : i32
      %dma_wait3A_313 = arith.constant 0 : i32
      %dma_wait3A_314 = arith.constant 0 : i32
      %dma_wait3A_315 = arith.constant 0 : i32
      %dma_wait3A_316 = tpu.memref_slice %arg7[%rem3A_140, %dma_wait3A_313, %dma_wait3A_314, %dma_wait3A_315] : memref<2x8x3x128xi32, #tpu.memory_space<vmem>> -> memref<1x8x3x128xi32, #tpu.memory_space<vmem>>
      %dma_wait3A_317 = tpu.memref_squeeze %dma_wait3A_316 : memref<1x8x3x128xi32, #tpu.memory_space<vmem>> -> memref<8x3x128xi32, #tpu.memory_space<vmem>>
      %dma_wait3A_318 = arith.constant 0 : i32
      %dma_wait3A_319 = tpu.memref_slice %dma_wait3A_317[%dma_wait3A_311, %dma_wait3A_312, %dma_wait3A_318] : memref<8x3x128xi32, #tpu.memory_space<vmem>> -> memref<1x1x128xi32, #tpu.memory_space<vmem>>
      %dma_wait3A_320 = tpu.memref_squeeze %dma_wait3A_319 : memref<1x1x128xi32, #tpu.memory_space<vmem>> -> memref<128xi32, #tpu.memory_space<vmem>>
      %dma_wait3A_321 = arith.constant 0 : i32
      %dma_wait3A_322 = tpu.memref_slice %arg13[%dma_wait3A_321] : memref<10240xf32, #tpu.memory_space<vmem_shared>> -> memref<10240xf32, #tpu.memory_space<vmem_shared>>
      tpu.wait_indirect_dma semaphore(%arg18 : memref<!tpu.dma_semaphore, #tpu.memory_space<semaphore_mem>>) src(%arg10 : memref<128xf32, #tpu.memory_space<vmem>>) dst(%dma_wait3A_322 : memref<10240xf32, #tpu.memory_space<vmem_shared>>)
      %dma_wait3A_323 = arith.constant 7 : i32
      %dma_wait3A_324 = arith.constant 2 : i32
      %dma_wait3A_325 = arith.constant 0 : i32
      %dma_wait3A_326 = arith.constant 0 : i32
      %dma_wait3A_327 = arith.constant 0 : i32
      %dma_wait3A_328 = tpu.memref_slice %arg7[%rem3A_140, %dma_wait3A_325, %dma_wait3A_326, %dma_wait3A_327] : memref<2x8x3x128xi32, #tpu.memory_space<vmem>> -> memref<1x8x3x128xi32, #tpu.memory_space<vmem>>
      %dma_wait3A_329 = tpu.memref_squeeze %dma_wait3A_328 : memref<1x8x3x128xi32, #tpu.memory_space<vmem>> -> memref<8x3x128xi32, #tpu.memory_space<vmem>>
      %dma_wait3A_330 = arith.constant 0 : i32
      %dma_wait3A_331 = tpu.memref_slice %dma_wait3A_329[%dma_wait3A_323, %dma_wait3A_324, %dma_wait3A_330] : memref<8x3x128xi32, #tpu.memory_space<vmem>> -> memref<1x1x128xi32, #tpu.memory_space<vmem>>
      %dma_wait3A_332 = tpu.memref_squeeze %dma_wait3A_331 : memref<1x1x128xi32, #tpu.memory_space<vmem>> -> memref<128xi32, #tpu.memory_space<vmem>>
      %dma_wait3A_333 = arith.constant 0 : i32
      %dma_wait3A_334 = tpu.memref_slice %arg13[%dma_wait3A_333] : memref<10240xf32, #tpu.memory_space<vmem_shared>> -> memref<10240xf32, #tpu.memory_space<vmem_shared>>
      tpu.wait_indirect_dma semaphore(%arg18 : memref<!tpu.dma_semaphore, #tpu.memory_space<semaphore_mem>>) src(%arg10 : memref<128xf32, #tpu.memory_space<vmem>>) dst(%dma_wait3A_334 : memref<10240xf32, #tpu.memory_space<vmem_shared>>)
      %scan3A_335 = arith.constant 0 : i32
      scf.yield %scan3A_335 : i32
    }
    %scan3A_135 = arith.constant 10 : i32
    %barrier3A_136 = arith.constant 0 : index
    tpu.barrier barrier_id(%barrier3A_136)
    "tpu.region"() ({
      %run_scoped3A_137 = tpu.sem_alloc : memref<!tpu.dma_semaphore, #tpu.memory_space<semaphore_mem>>
      %dma_start3A_138 = arith.constant 0 : i32
      %dma_start3A_139 = tpu.memref_slice %arg5[%arg0, %mul3A_54, %dma_start3A_138] : memref<2x10240x128xf32, #tpu.memory_space<hbm>> -> memref<1x640x128xf32, #tpu.memory_space<hbm>>
      %dma_start3A_140 = tpu.memref_squeeze %dma_start3A_139 : memref<1x640x128xf32, #tpu.memory_space<hbm>> -> memref<640x128xf32, #tpu.memory_space<hbm>>
      %dma_start3A_141 = arith.constant 0 : i32
      %dma_start3A_142 = tpu.memref_slice %arg11[%mul3A_54, %dma_start3A_141] : memref<10240x128xf32, #tpu.memory_space<vmem_shared>> -> memref<640x128xf32, #tpu.memory_space<vmem_shared>>
      tpu.enqueue_dma source(%dma_start3A_142 : memref<640x128xf32, #tpu.memory_space<vmem_shared>>) target(%dma_start3A_140 : memref<640x128xf32, #tpu.memory_space<hbm>>) target_semaphore(%run_scoped3A_137 : memref<!tpu.dma_semaphore, #tpu.memory_space<semaphore_mem>>)
      %dma_wait3A_143 = arith.constant 0 : i32
      %dma_wait3A_144 = tpu.memref_slice %arg5[%arg0, %mul3A_54, %dma_wait3A_143] : memref<2x10240x128xf32, #tpu.memory_space<hbm>> -> memref<1x640x128xf32, #tpu.memory_space<hbm>>
      %dma_wait3A_145 = tpu.memref_squeeze %dma_wait3A_144 : memref<1x640x128xf32, #tpu.memory_space<hbm>> -> memref<640x128xf32, #tpu.memory_space<hbm>>
      %dma_wait3A_146 = arith.constant 0 : i32
      %dma_wait3A_147 = tpu.memref_slice %arg11[%mul3A_54, %dma_wait3A_146] : memref<10240x128xf32, #tpu.memory_space<vmem_shared>> -> memref<640x128xf32, #tpu.memory_space<vmem_shared>>
      tpu.wait_dma2 semaphore(%run_scoped3A_137 : memref<!tpu.dma_semaphore, #tpu.memory_space<semaphore_mem>>) src(%dma_wait3A_147 : memref<640x128xf32, #tpu.memory_space<vmem_shared>>) dst(%dma_wait3A_145 : memref<640x128xf32, #tpu.memory_space<hbm>>)
      tpu.yield
    }) : () -> ()
    "tpu.region"() ({
      %run_scoped3A_137 = tpu.sem_alloc : memref<!tpu.dma_semaphore, #tpu.memory_space<semaphore_mem>>
      %dma_start3A_138 = tpu.memref_slice %arg6[%arg0, %mul3A_54] : memref<2x10240xf32, #tpu.memory_space<hbm>> -> memref<1x640xf32, #tpu.memory_space<hbm>>
      %dma_start3A_139 = tpu.memref_squeeze %dma_start3A_138 : memref<1x640xf32, #tpu.memory_space<hbm>> -> memref<640xf32, #tpu.memory_space<hbm>>
      %dma_start3A_140 = tpu.memref_slice %arg13[%mul3A_54] : memref<10240xf32, #tpu.memory_space<vmem_shared>> -> memref<640xf32, #tpu.memory_space<vmem_shared>>
      tpu.enqueue_dma source(%dma_start3A_140 : memref<640xf32, #tpu.memory_space<vmem_shared>>) target(%dma_start3A_139 : memref<640xf32, #tpu.memory_space<hbm>>) target_semaphore(%run_scoped3A_137 : memref<!tpu.dma_semaphore, #tpu.memory_space<semaphore_mem>>)
      %dma_wait3A_141 = tpu.memref_slice %arg6[%arg0, %mul3A_54] : memref<2x10240xf32, #tpu.memory_space<hbm>> -> memref<1x640xf32, #tpu.memory_space<hbm>>
      %dma_wait3A_142 = tpu.memref_squeeze %dma_wait3A_141 : memref<1x640xf32, #tpu.memory_space<hbm>> -> memref<640xf32, #tpu.memory_space<hbm>>
      %dma_wait3A_143 = tpu.memref_slice %arg13[%mul3A_54] : memref<10240xf32, #tpu.memory_space<vmem_shared>> -> memref<640xf32, #tpu.memory_space<vmem_shared>>
      tpu.wait_dma2 semaphore(%run_scoped3A_137 : memref<!tpu.dma_semaphore, #tpu.memory_space<semaphore_mem>>) src(%dma_wait3A_143 : memref<640xf32, #tpu.memory_space<vmem_shared>>) dst(%dma_wait3A_142 : memref<640xf32, #tpu.memory_space<hbm>>)
      tpu.yield
    }) : () -> ()
    return
  }
}

module attributes {stable_mosaic.version = 14 : i64} {
  func.func @_tc_finish(%arg0: i32, %arg1: memref<2x1024x128xf32, #tpu.memory_space<vmem>>, %arg2: memref<2x1024xf32, #tpu.memory_space<vmem>>, %arg3: memref<128x128xf32, #tpu.memory_space<vmem>>, %arg4: memref<1024x128xf32, #tpu.memory_space<vmem>>) attributes {dimension_semantics = [#tpu.dimension_semantics<arbitrary>], iteration_bounds = array<i64: 10>, scalar_prefetch = 0 : i64, scratch_operands = 0 : i64, tpu.core_type = #tpu.core_type<tc>, window_params = [{transform_indices = @transform_0, window_bounds = array<i64: 2, 1024, 128>}, {transform_indices = @transform_1, window_bounds = array<i64: 2, 1024>}, {pipeline_mode = #tpu.pipeline_mode<synchronous>, transform_indices = @transform_2, window_bounds = array<i64: 128, 128>}, {transform_indices = @transform_3, window_bounds = array<i64: 1024, 128>}]} {
    %get3A = arith.constant 0 : index
    %get3A_0 = arith.constant 0 : index
    %get3A_1 = arith.constant 0 : index
    %get3A_2 = vector.load %arg1[%get3A, %get3A_0, %get3A_1] : memref<2x1024x128xf32, #tpu.memory_space<vmem>>, vector<1x1024x128xf32>
    %get3A_3 = vector.shape_cast %get3A_2 : vector<1x1024x128xf32> to vector<1024x128xf32>
    %get3A_4 = arith.constant 1 : index
    %get3A_5 = arith.constant 0 : index
    %get3A_6 = arith.constant 0 : index
    %get3A_7 = vector.load %arg1[%get3A_4, %get3A_5, %get3A_6] : memref<2x1024x128xf32, #tpu.memory_space<vmem>>, vector<1x1024x128xf32>
    %get3A_8 = vector.shape_cast %get3A_7 : vector<1x1024x128xf32> to vector<1024x128xf32>
    %add3A = arith.addf %get3A_3, %get3A_8 : vector<1024x128xf32>
    %get3A_9 = arith.constant 0 : index
    %get3A_10 = arith.constant 0 : index
    %get3A_11 = vector.load %arg3[%get3A_9, %get3A_10] : memref<128x128xf32, #tpu.memory_space<vmem>>, vector<128x128xf32>
    %dot_general3A = arith.constant dense<0.000000e+00> : vector<1024x128xf32>
    %dot_general3A_12 = tpu.matmul %add3A, %get3A_11, %dot_general3A {dimension_numbers = #tpu.dot_dimension_numbers<[1], [0], [0], [1], [0, 0, 1, 1], [], []>, transpose_lhs_hint = false} : vector<1024x128xf32>, vector<128x128xf32>, vector<1024x128xf32> -> vector<1024x128xf32>
    %get3A_13 = arith.constant 0 : index
    %get3A_14 = arith.constant 0 : index
    %get3A_15 = vector.load %arg2[%get3A_13, %get3A_14] : memref<2x1024xf32, #tpu.memory_space<vmem>>, vector<1x1024xf32>
    %get3A_16 = vector.shape_cast %get3A_15 : vector<1x1024xf32> to vector<1024xf32>
    %get3A_17 = arith.constant 1 : index
    %get3A_18 = arith.constant 0 : index
    %get3A_19 = vector.load %arg2[%get3A_17, %get3A_18] : memref<2x1024xf32, #tpu.memory_space<vmem>>, vector<1x1024xf32>
    %get3A_20 = vector.shape_cast %get3A_19 : vector<1x1024xf32> to vector<1024xf32>
    %add3A_21 = arith.addf %get3A_16, %get3A_20 : vector<1024xf32>
    %broadcast_in_dim3A = vector.shape_cast %add3A_21 : vector<1024xf32> to vector<1024x1xf32>
    %div3A = vector.broadcast %broadcast_in_dim3A : vector<1024x1xf32> to vector<1024x128xf32>
    %div3A_22 = arith.divf %dot_general3A_12, %div3A : vector<1024x128xf32>
    %swap3A = arith.constant 0 : index
    %swap3A_23 = arith.constant 0 : index
    %swap3A_24 = vector.load %arg4[%swap3A, %swap3A_23] : memref<1024x128xf32, #tpu.memory_space<vmem>>, vector<1024x128xf32>
    tpu.vector_store %arg4[%swap3A, %swap3A_23], %div3A_22 {strides = array<i32>} : memref<1024x128xf32, #tpu.memory_space<vmem>>, vector<1024x128xf32>,
    return
  }
  func.func @transform_0(%arg0: i32) -> (i32, i32, i32) {
    %c0_i32 = arith.constant 0 : i32
    %c0_i32_0 = arith.constant 0 : i32
    %c0_i32_1 = arith.constant 0 : i32
    return %c0_i32, %arg0, %c0_i32_0 : i32, i32, i32
  }
  func.func @transform_1(%arg0: i32) -> (i32, i32) {
    %c0_i32 = arith.constant 0 : i32
    %c0_i32_0 = arith.constant 0 : i32
    return %c0_i32, %arg0 : i32, i32
  }
  func.func @transform_2(%arg0: i32) -> (i32, i32) {
    %c0_i32 = arith.constant 0 : i32
    %c0_i32_0 = arith.constant 0 : i32
    %c0_i32_1 = arith.constant 0 : i32
    return %c0_i32, %c0_i32_0 : i32, i32
  }
  func.func @transform_3(%arg0: i32) -> (i32, i32) {
    %c0_i32 = arith.constant 0 : i32
    %c0_i32_0 = arith.constant 0 : i32
    return %arg0, %c0_i32 : i32, i32
  }
}

</mosaic_0001>

<sc_bundles>
// kernel: kernel.4.cloned.1.call-start
scs
__scs_entry_jumppad:
0x0: {  	(pc) =	sbr.rel $0x88, $3  }
0x1: {  	(tag) =	ssettag $0x0;
	lr =	simm.s32 $0x1  }
0x2: {  	[smem:$0x3F9D] =	sst lr;
	_ =	strace $0xD0000000  }
0x3: {  	_ = 	snop  }
0x4: {  	_ = 	snop  }
0x5: {  	_ = 	snop  }
0x6: {  	_ = 	snop  }
0x7: {  	_ = 	snop  }
__scs_overlays_trampoline_lowered:
0x8: {  	[smem:$0x3FAC] =	sst s0  }
0x9: {  	[smem:$0x3FAD] =	sst s1  }
0xa: {  	[smem:$0x3FAE] =	sst s2  }
0xb: {  	[smem:$0x3FAF] =	sst s3  }
0xc: {  	[smem:$0x3FB0] =	sst s4  }
0xd: {  	[smem:$0x3FB1] =	sst s5  }
0xe: {  	[smem:$0x3FB2] =	sst s6  }
0xf: {  	[smem:$0x3FB3] =	sst s7  }
0x10: {  	[smem:$0x3FB4] =	sst s8  }
0x11: {  	[smem:$0x3FB5] =	sst s9;
	s0 =	simm.s32 @!p0 $0x0  }
0x12: {  	s1 =	sld [smem:$0x3F9B];
	s0 =	simm.s32 @p0 $0x1  }
0x13: {  	[smem:$0x3FB6] =	sst s0;
	s0 =	simm.s32 @!p1 $0x0  }
0x14: {  	s2 =	sld [smem:$0x3F9A];
	s0 =	simm.s32 @p1 $0x1  }
0x15: {  	[smem:$0x3FB7] =	sst s0;
	s0 =	simm.s32 @!p2 $0x0  }
0x16: {  	s3 =	sld [smem:$0x3FDB];
	s0 =	simm.s32 @p2 $0x1  }
0x17: {  	s4 =	simm.s32 $0x1BF5;
	[smem:$0x3FB9] =	sst s0  }
0x18: {  	s0 =	sld [smem:$0x3F9C];
	_ =	swait.ge [sflag:s4], $0x0  }
0x19: {  	s7 =	sld [smem:$0x3F9D]  }
0x1a: {  	s8 =	sadd.s32 $0xFFFFE003, lr  }
0x1b: {  	s9 =	sadd.s32 $0xFFFFFEF7, lr;
	s5 =	simm.s32 $0xFFFFFFFF;
	p2 =	slt.u32 s8, $0xFFFFF086  }
0x1c: {  	p1 =	slt.u32 s9, $0xF7A;
	s5 =	simm.s32 @!p2 $0x0  }
0x1d: {  	s5 =	simm.s32 @p1 $0x1;
	p0 =	seq.s32 s7, s2  }
0x1e: {  	s7 =	smul.u32 @!p0 $0xF7A, s2;
	p2 =	seq.s32 @!p0 s5, $0x0  }
0x1f: {  	s9 =	smul.u32 $0xF7A, s1;
	s8 =	simm.s32 @!p0 $0x1BF5;
	p2 =	por !p2, p0  }
0x20: {  	[sflag:s8] =	ssyncset.s32 @!p0 $0xFFFFF086;
	s6 =	sadd.s32 @!p0 s3, s7;
	s7 =	simm.s32 @!p0 $0x108  }
0x21: {  	s3 =	sadd.s32 s3, s9;
	s6 =	sadd.s32 @!p0 $0x88, s6;
	s7 =	simm.s32 @p2 $0x1082  }
0x22: {  	[simem:s7], [sflag:s8] =	dma.local @!p0 [hbm:s6], $0xF7A  }
0x23: {  	s9 =	sor.u32 $0xD0000000, s2;
	s6 =	simm.s32 $0x108;
	_ =	swait.ge @!p0 [sflag:s8], $0x0  }
0x24: {  	s3 =	sadd.s32 $0x88, s3;
	s6 =	simm.s32 @!p1 $0x1082;
	[sflag:s4] =	ssyncset.s32 $0xFFFFF086  }
0x25: {  	[simem:s6], [sflag:s4] =	dma.local [hbm:s3], $0xF7A  }
0x26: {  	[smem:$0x3F9D] =	sst s1;
	(tag) =	ssettag s2;
	_ =	strace s9  }
0x27: {  	s1 =	sld [smem:$0x3FAD]  }
0x28: {  	s2 =	sld [smem:$0x3FAE]  }
0x29: {  	s4 =	sld [smem:$0x3FB0]  }
0x2a: {  	p0 =	seq.s32 s5, $0x0;
	s5 =	sld [smem:$0x3FB1]  }
0x2b: {  	s6 =	sld [smem:$0x3FB2]  }
0x2c: {  	s7 =	sld [smem:$0x3FB3]  }
0x2d: {  	s3 =	simm.s32 $0x108;
	s8 =	sld [smem:$0x3FB4]  }
0x2e: {  	s3 =	simm.s32 @!p0 $0x1082;
	s9 =	sld [smem:$0x3FB5]  }
0x2f: {  	lr =	sadd.s32 s0, s3;
	s0 =	sld [smem:$0x3FAC]  }
0x30: {  	s3 =	sld [smem:$0x3FAF]  }
0x31: {  	[smem:$0x3FB8] =	sst s10  }
0x32: {  	s10 =	sld [smem:$0x3FB6];
	_ =	sdelay $0x3  }
0x33: {  	p0 =	seq.s32 s10, $0x1;
	s10 =	sld [smem:$0x3FB8];
	_ =	sdelay $0x3  }
0x34: {  	[smem:$0x3FB8] =	sst s10  }
0x35: {  	s10 =	sld [smem:$0x3FB7];
	_ =	sdelay $0x3  }
0x36: {  	p1 =	seq.s32 s10, $0x1;
	s10 =	sld [smem:$0x3FB8];
	_ =	sdelay $0x3  }
0x37: {  	[smem:$0x3FB8] =	sst s10  }
0x38: {  	s10 =	sld [smem:$0x3FB9]  }
0x39: {  	_ = 	snop;
	(pc) =	sbr.ind lr, $3  }
0x3a: {  	_ = 	snop  }
0x3b: {  	_ = 	snop  }
0x3c: {  	p2 =	seq.s32 s10, $0x1;
	s10 =	sld [smem:$0x3FB8]  }
0x3d: {  	_ =	shalt  }
0x3e: {  	_ =	shalt  }
0x3f: {  	_ =	shalt  }
0x40: {  	_ =	shalt  }
0x41: {  	_ =	shalt  }
0x42: {  	_ =	shalt  }
0x43: {  	_ =	shalt  }
0x44: {  	_ =	shalt  }
0x45: {  	_ =	shalt  }
0x46: {  	_ =	shalt  }
0x47: {  	_ =	shalt  }
0x48: {  	_ =	shalt  }
0x49: {  	_ =	shalt  }
0x4a: {  	_ =	shalt  }
0x4b: {  	_ =	shalt  }
0x4c: {  	_ =	shalt  }
0x4d: {  	_ =	shalt  }
0x4e: {  	_ =	shalt  }
0x4f: {  	_ =	shalt  }
0x50: {  	_ =	shalt  }
0x51: {  	_ =	shalt  }
0x52: {  	_ =	shalt  }
0x53: {  	_ =	shalt  }
0x54: {  	_ =	shalt  }
0x55: {  	_ =	shalt  }
0x56: {  	_ =	shalt  }
0x57: {  	_ =	shalt  }
0x58: {  	_ =	shalt  }
0x59: {  	_ =	shalt  }
0x5a: {  	_ =	shalt  }
0x5b: {  	_ =	shalt  }
0x5c: {  	_ =	shalt  }
0x5d: {  	_ =	shalt  }
0x5e: {  	_ =	shalt  }
0x5f: {  	_ =	shalt  }
0x60: {  	_ =	shalt  }
0x61: {  	_ =	shalt  }
0x62: {  	_ =	shalt  }
0x63: {  	_ =	shalt  }
0x64: {  	_ =	shalt  }
0x65: {  	_ =	shalt  }
0x66: {  	_ =	shalt  }
0x67: {  	_ =	shalt  }
0x68: {  	_ =	shalt  }
0x69: {  	_ =	shalt  }
0x6a: {  	_ =	shalt  }
0x6b: {  	_ =	shalt  }
0x6c: {  	_ =	shalt  }
0x6d: {  	_ =	shalt  }
0x6e: {  	_ =	shalt  }
0x6f: {  	_ =	shalt  }
0x70: {  	_ =	shalt  }
0x71: {  	_ =	shalt  }
0x72: {  	_ =	shalt  }
0x73: {  	_ =	shalt  }
0x74: {  	_ =	shalt  }
0x75: {  	_ =	shalt  }
0x76: {  	_ =	shalt  }
0x77: {  	_ =	shalt  }
0x78: {  	_ =	shalt  }
0x79: {  	_ =	shalt  }
0x7a: {  	_ =	shalt  }
0x7b: {  	_ =	shalt  }
0x7c: {  	_ =	shalt  }
0x7d: {  	_ =	shalt  }
0x7e: {  	_ =	shalt  }
0x7f: {  	_ =	shalt  }
0x80: {  	_ =	shalt  }
0x81: {  	_ =	shalt  }
0x82: {  	_ =	shalt  }
0x83: {  	_ =	shalt  }
0x84: {  	_ =	shalt  }
0x85: {  	_ =	shalt  }
0x86: {  	_ =	shalt  }
0x87: {  	_ =	shalt  }
.Lfunc_end0:
.L_simem_size_0:
called_computation_lowered:
.L_overlay_start_0:
0x88: {  	s2 =	sld [smem:$0x3FD9]  }
0x89: {  	s3 =	sld [smem:$0x3FFE];
	_ =	sdelay $0x1  }
0x8a: {  	s1 =	srdreg.scid  }
0x8b: {  	s0 =	sand.u32 $0x1, s1  }
0x8c: {  	s17 =	sshll.u32 s0, $0xA;
	s2 =	sadd.s32 s3, s2  }
0x8d: {  	s2 =	sadd.s32 s2, s17  }
0x8e: {  	[smem:$0x3FC4] =	sst s2  }
0x8f: {  	_ = 	snop  }
0x90: {  	s2 =	sld [smem:$0x3FC9]  }
0x91: {  	s18 =	sld [smem:$0x3FD0];
	(tm) =	ssettm $0x1  }
0x92: {  	s4 =	sld [smem:$0x3FFB];
	_ =	sdelay $0x3  }
0x93: {  	_ =	strace s4  }
0x94: {  	s4 =	sld [smem:$0x3FFC];
	_ =	sdelay $0x3  }
0x95: {  	_ =	strace s4  }
0x96: {  	s4 =	sld [smem:$0x3FFD];
	_ =	sdelay $0x3  }
0x97: {  	_ =	strace s4  }
0x98: {  	_ =	strace $0x8FFFFFFF  }
0x99: {  	s19 =	sld [smem:$0x3FDB];
	_ =	sdelay $0x1  }
0x9a: {  	s5 =	simm.s32 $_scs_section_size  }
0x9b: {  	s6 =	simm.s32 $_size__tile_overlayer_lowered;
	s7 =	simm.s32 $_tile_overlayer_lowered  }
0x9c: {  	s22 =	simm.s32 $0x1BFF;
	s21 =	sshll.u32 s7, $0x1;
	s4 =	sadd.s32 s5, s19  }
0x9d: {  	s8 =	simm.s32 $0x0;
	s20 =	sshll.u32 s6, $0x1;
	s6 =	sadd.s32 s21, s4  }
0x9e: {  	[timem:s8], [sflag:s22] =	dma.local [hbm:s6], s20  }
0x9f: {  	_ =	swait.ge [sflag:s22], s20  }
0xa0: {  	s5 =	ssub.s32 $0x0, s20;
	[sflag:s22] =	ssyncset.done $0x0  }
0xa1: {  	[sflag:s22] =	ssyncadd.s32 s5;
	_ =	sdelay $0x1  }
0xa2: {  	s23 =	simm.s32 $0x1B8B  }
0xa3: {  	_ =	swait.ge [sflag:s23], $0x1  }
0xa4: {  	[sflag:s23] =	ssyncset.done $0x0  }
0xa5: {  	s25 =	simm.s32 $0x1B8E;
	s24 =	sld [smem:$0x3FFE];
	[sflag:s23] =	ssyncadd.s32 $0xFFFFFFFF  }
0xa6: {  	s26 =	simm.s32 $execute0_lowered;
	[smem:$0x3FD2] =	sst s25  }
0xa7: {  	s6 =	sshll.u32 s26, $0x1;
	_ =	strace $0x80000046;
	[dreg:$0x1] =	wrdreg $0xFFFFFFFF  }
0xa8: {  	s28 =	simm.s32 $_size_execute0_lowered;
	s4 =	sadd.s32 s4, s6;
	[dreg:$0x0] =	wrdreg $0x0  }
0xa9: {  	s6 =	sshll.u32 s28, $0x1;
	[dreg:$0x2] =	wrdreg s4  }
0xaa: {  	[dreg:$0x3] =	wrdreg s6  }
0xab: {  	[dreg:$0x4] =	wrdreg $0xC0  }
0xac: {  	_ =	task [dreg:s8], $0x5FFFF  }
0xad: {  	[dreg:$0x1] =	wrdreg $0xFFFFFFFF  }
0xae: {  	[dreg:$0x0] =	wrdreg $0x60  }
0xaf: {  	[dreg:$0x2] =	wrdreg s2  }
0xb0: {  	[dreg:$0x3] =	wrdreg s18  }
0xb1: {  	[dreg:$0x4] =	wrdreg s24  }
0xb2: {  	[dreg:$0x5] =	wrdreg $0xA0800  }
0xb3: {  	[dreg:$0x6] =	wrdreg $0x1E0800  }
0xb4: {  	[dreg:$0x7] =	wrdreg $0x1E7000  }
0xb5: {  	[dreg:$0x8] =	wrdreg $0x9  }
0xb6: {  	_ =	task.clear_ibuf [dreg:s8], $0x9FFFF;
	_ =	strace $0x90000046  }
0xb7: {  	s29 =	simm.s32 $0x9;
	_ =	strace $0x80000048  }
0xb8: {  	_ =	swait.ge [sflag:s29], $0x1  }
0xb9: {  	[sflag:s29] =	ssyncadd.s32 $0xFFFFFFFF  }
0xba: {  	_ =	strace $0x90000048  }
0xbb: {  	_ =	sfence  }
0xbc: {  	s30 =	sld [smem:$0x0];
	_ =	sdelay $0x2  }
0xbd: {  	s31 =	sshll.u32 s1, $0xD;
	s1 =	sshrl.u32 s1, $0x2  }
0xbe: {  	s3 =	sand.u32 $0x4000, s31;
	s1 =	sadd.s32 s1, s30  }
0xbf: {  	s0 =	sor.u32 s3, s0;
	s1 =	sshll.u32 s1, $0x11  }
0xc0: {  	s0 =	sor.u32 s1, s0  }
0xc1: {  	s0 =	sadd.s32 $0x8F2B, s0  }
0xc2: {  	[sflag:s0] =	ssyncadd.remote.s32 $0x1  }
0xc3: {  	_ =	sfence.sel $0xFFFF  }
0xc4: {  	[dreg:$0x0] =	wrdreg $0xFFFFFFFF;
	(pc) =	sbr.abs _section_cstart, $3  }
0xc5: {  	[dreg:$0x1] =	wrdreg $0xFFFFFFFF  }
0xc6: {  	_ =	task.clear_ibuf [dreg:s8], $0x2FFFF;
	_ =	strace $0x9FFFFFFF  }
0xc7: {  	(tm) =	ssettm $0x7FFFFFFF  }
tec
execute0_lowered:
.L_overlay_start_1:
0x0: {  	(tag) =	ssettag $0x1  }
0x1: {  	s0 =	rddreg [dreg:$0x0]  }
0x2: {  	s1 =	rddreg [dreg:$0x2]  }
0x3: {  	s2 =	rddreg [dreg:$0x3]  }
0x4: {  	s4 =	srdreg.scid;
	s3 =	rddreg [dreg:$0x4]  }
0x5: {  	s17 =	stileid.u32;
	s6 =	rddreg [dreg:$0x5]  }
0x6: {  	s7 =	simm.s32 $0x0;
	s29 =	simm.s32 $0x6;
	s8 =	smul.u32 $0x14000, s17  }
0x7: {  	s30 =	simm.s32 $0x80;
	s31 =	simm.s32 $0x2000;
	s9 =	smul.u32 $0x500, s17  }
0x8: {  	s28 =	simm.s32 $0x2;
	s4 =	sand.u32 $0x1, s4;
	s11 =	smul.u32 $0x280, s17  }
0x9: {  	[smem:$0x7FF] =	sst s7;
	s13 =	smul.u32 $0x50000, s17;
	p0 =	sne.s32 s17, $0x0  }
0xa: {  	s5 =	smul.u32 $0x140000, s4;
	_ =	strace $0x80000047;
	s10 =	sshll.u32 s4, $0x7  }
0xb: {  	s23 =	ssub.s32 $0x2, s4;
	s24 =	sshll.u32 s4, $0x4;
	s4 =	smul.u32 $0x150000, s4  }
0xc: {  	s9 =	sor.u32 s10, s9;
	s12 =	sshrl.u32 s23, $0x1;
	s14 =	sor.u32 s17, s24  }
0xd: {  	s25 =	sshrl.u32 s13, $0x2;
	s26 =	sadd.s32 $0x80, s11;
	s16 =	sadd.s32 $0x100, s11  }
0xe: {  	s10 =	sadd.s32 s11, s6;
	s20 =	sadd.s32 $0x180, s11;
	s11 =	sadd.s32 $0x200, s11  }
0xf: {  	s24 =	smul.u32 $0x15000, s17;
	s5 =	sadd.s32 s8, s5;
	s8 =	sadd.s32 $0x800, s1  }
0x10: {  	s9 =	sshrl.u32 s9, $0x3;
	s12 =	ssub.s32 s23, s12;
	s15 =	sshll.u32 s26, $0x7  }
0x11: {  	s18 =	sshll.u32 s16, $0x7;
	s13 =	sadd.s32 s26, s6;
	s21 =	sadd.s32 s16, s6  }
0x12: {  	s22 =	sshll.u32 s20, $0x7;
	s14 =	smul.u32 $0x15000, s14;
	s23 =	sshll.u32 s11, $0x7  }
0x13: {  	s11 =	sadd.s32 s11, s6;
	s5 =	sshrl.u32 s5, $0x3;
	[dreg:$0x8] =	wrdreg s13  }
0x14: {  	s15 =	sadd.s32 s15, s2;
	s19 =	sadd.s32 s18, s2;
	[dreg:$0xa] =	wrdreg s21  }
0x15: {  	s13 =	sadd.s32 s20, s6;
	[dreg:$0xe] =	wrdreg s11;
	s4 =	sadd.s32 s24, s4  }
0x16: {  	s11 =	simm.s32 $0xA000;
	s5 =	sadd.s32 s5, s1;
	[dreg:$0x7] =	wrdreg s15  }
0x17: {  	s1 =	sadd.s32 s9, s1;
	s9 =	sadd.s32 s25, s2;
	[dreg:$0x9] =	wrdreg s19  }
0x18: {  	s15 =	sadd.s32 s22, s2;
	[dreg:$0xc] =	wrdreg s13;
	s13 =	sadd.s32 s23, s2  }
0x19: {  	s25 =	sshrl.u32 s14, $0x3;
	s22 =	smax.u32 s12, $0x1;
	[dreg:$0xb] =	wrdreg s15  }
0x1a: {  	s26 =	sshrl.u32 s4, $0x3;
	s12 =	simm.s32 $0x5;
	[dreg:$0xd] =	wrdreg s13  }
0x1b: {  	s19 =	sadd.s32 s8, s25;
	s5 =	sadd.s32 $0x54800, s5;
	s21 =	sadd.s32 $0xA4800, s1  }
0x1c: {  	s15 =	sadd.s32 $0x1000, s4;
	s24 =	sadd.s32 s26, s8;
	s25 =	simm.s32 $0x6000  }
0x1d: {  	s26 =	simm.s32 $0x7;
	s4 =	simm.s32 $0x1;
	s1 =	simm.s32 $0x3  }
0x1e: {  	v0 =	vimm.f32 $0.0e+00;
	v1 =	vimm.f32 $1.000000000e+00;
	s13 =	simm.s32 $0x0;
	[dreg:$0xf] =	wrdreg s5;
	s5 =	simm.s32 $0x4  }
.LBB2_1:
0x1f: {  	s14 =	simm.s32 $0x0;
	s16 =	simm.s32 $0x200  }
.LBB2_2:
0x20: {  	p1 =	sne.s32 s16, $0xFE00;
	[tilespmem:s14+$0x6070] =	vst v0  }
0x21: {  	[tilespmem:s14+$0x6000] =	vst v0  }
0x22: {  	[tilespmem:s14+$0x6010] =	vst v0  }
.Ltmp0:
0x23: {  	[tilespmem:s14+$0x6020] =	vst v0;
	(pc) =	sbr.rel @p1 .LBB2_2-.Ltmp0, $4  }
0x24: {  	[tilespmem:s14+$0x6030] =	vst v0  }
0x25: {  	[tilespmem:s14+$0x6040] =	vst v0  }
0x26: {  	[tilespmem:s14+$0x6050] =	vst v0  }
0x27: {  	[tilespmem:s14+$0x6060] =	vst v0;
	s14 =	sshra.s32 s16, $0x2;
	s16 =	sadd.s32 $0x200, s16  }
0x28: {  	[tilespmem:s14+$0x6070] =	vst v0  }
0x29: {  	[tilespmem:s14+$0x6000] =	vst v0  }
0x2a: {  	[tilespmem:s14+$0x6010] =	vst v0  }
0x2b: {  	[tilespmem:s14+$0x6020] =	vst v0  }
0x2c: {  	[tilespmem:s14+$0x6030] =	vst v0  }
0x2d: {  	[tilespmem:s14+$0x6040] =	vst v0  }
0x2e: {  	[tilespmem:s14+$0x6050] =	vst v0  }
0x2f: {  	[tilespmem:s14+$0x6060] =	vst v0  }
0x30: {  	[tilespmem:$0xA000] =	vst v1  }
0x31: {  	[tilespmem:$0xA010] =	vst v1  }
0x32: {  	[tilespmem:$0xA020] =	vst v1  }
0x33: {  	[tilespmem:$0xA030] =	vst v1  }
0x34: {  	[tilespmem:$0xA040] =	vst v1  }
0x35: {  	[tilespmem:$0xA050] =	vst v1  }
0x36: {  	[tilespmem:$0xA060] =	vst v1  }
0x37: {  	[tilespmem:$0xA070] =	vst v1  }
0x38: {  	[spmem:s9] =	stream.linear.scatter [tilespmem:s25], [sflag:$0x7], $0x4000, $0x38;
	[tilespmem:$0x1E980] =	vst v63  }
0x39: {  	_ =	swait.ge [sflag:s26], $0x4000  }
0x3a: {  	[sflag:s26] =	ssyncset.done $0x0  }
0x3b: {  	[sflag:s26] =	ssyncadd.s32 $0xFFFFC000  }
0x3c: {  	[spmem:s10] =	stream.linear.scatter [tilespmem:s25], [sflag:$0x7], $0x80, $0x38;
	[tilespmem:$0x1E980] =	vst v63  }
0x3d: {  	_ =	swait.ge [sflag:s26], $0x80  }
0x3e: {  	[sflag:s26] =	ssyncset.done $0x0  }
0x3f: {  	s16 =	rddreg [dreg:$0x7];
	[sflag:s26] =	ssyncadd.s32 $0xFFFFFF80  }
0x40: {  	[spmem:s16] =	stream.linear.scatter [tilespmem:s25], [sflag:$0x7], $0x4000, $0x38;
	[tilespmem:$0x1E980] =	vst v63  }
0x41: {  	_ =	swait.ge [sflag:s26], $0x4000  }
0x42: {  	[sflag:s26] =	ssyncset.done $0x0  }
0x43: {  	s17 =	rddreg [dreg:$0x8];
	[sflag:s26] =	ssyncadd.s32 $0xFFFFC000  }
0x44: {  	[spmem:s17] =	stream.linear.scatter [tilespmem:s25], [sflag:$0x7], $0x80, $0x38;
	[tilespmem:$0x1E980] =	vst v63  }
0x45: {  	_ =	swait.ge [sflag:s26], $0x80  }
0x46: {  	[sflag:s26] =	ssyncset.done $0x0  }
0x47: {  	s18 =	rddreg [dreg:$0x9];
	[sflag:s26] =	ssyncadd.s32 $0xFFFFFF80  }
0x48: {  	[spmem:s18] =	stream.linear.scatter [tilespmem:s25], [sflag:$0x7], $0x4000, $0x38;
	[tilespmem:$0x1E980] =	vst v63  }
0x49: {  	_ =	swait.ge [sflag:s26], $0x4000  }
0x4a: {  	[sflag:s26] =	ssyncset.done $0x0  }
0x4b: {  	s20 =	rddreg [dreg:$0xa];
	[sflag:s26] =	ssyncadd.s32 $0xFFFFC000  }
0x4c: {  	[spmem:s20] =	stream.linear.scatter [tilespmem:s25], [sflag:$0x7], $0x80, $0x38;
	[tilespmem:$0x1E980] =	vst v63  }
0x4d: {  	_ =	swait.ge [sflag:s26], $0x80  }
0x4e: {  	[sflag:s26] =	ssyncset.done $0x0  }
0x4f: {  	s23 =	rddreg [dreg:$0xb];
	[sflag:s26] =	ssyncadd.s32 $0xFFFFFF80  }
0x50: {  	[spmem:s23] =	stream.linear.scatter [tilespmem:s25], [sflag:$0x7], $0x4000, $0x38;
	[tilespmem:$0x1E980] =	vst v63  }
0x51: {  	_ =	swait.ge [sflag:s26], $0x4000  }
0x52: {  	[sflag:s26] =	ssyncset.done $0x0  }
0x53: {  	s16 =	rddreg [dreg:$0xc];
	[sflag:s26] =	ssyncadd.s32 $0xFFFFC000  }
0x54: {  	[spmem:s16] =	stream.linear.scatter [tilespmem:s25], [sflag:$0x7], $0x80, $0x38;
	[tilespmem:$0x1E980] =	vst v63  }
0x55: {  	_ =	swait.ge [sflag:s26], $0x80  }
0x56: {  	[sflag:s26] =	ssyncset.done $0x0  }
0x57: {  	s17 =	rddreg [dreg:$0xd];
	[sflag:s26] =	ssyncadd.s32 $0xFFFFFF80  }
0x58: {  	[spmem:s17] =	stream.linear.scatter [tilespmem:s25], [sflag:$0x7], $0x4000, $0x38;
	[tilespmem:$0x1E980] =	vst v63  }
0x59: {  	_ =	swait.ge [sflag:s26], $0x4000  }
0x5a: {  	[sflag:s26] =	ssyncset.done $0x0  }
0x5b: {  	s18 =	rddreg [dreg:$0xe];
	[sflag:s26] =	ssyncadd.s32 $0xFFFFC000  }
0x5c: {  	[spmem:s18] =	stream.linear.scatter [tilespmem:s25], [sflag:$0x7], $0x80, $0x38;
	[tilespmem:$0x1E980] =	vst v63  }
0x5d: {  	_ =	swait.ge [sflag:s26], $0x80  }
0x5e: {  	[sflag:s26] =	ssyncset.done $0x0  }
0x5f: {  	[sflag:s26] =	ssyncadd.s32 $0xFFFFFF80  }
0x60: {  	s14 =	sshrl.u32 @!p0 s3, $0x3;
	s16 =	simm.s32 @!p0 $0x1C07;
	s17 =	rddreg [dreg:$0x1]  }
0x61: {  	[spmem:s14], [sflag:s16] =	dma.local @!p0 [hbm:s17], $0xD00  }
0x62: {  	s14 =	simm.s32 @!p0 $0x7  }
0x63: {  	_ =	swait.ge @!p0 [sflag:s14], $0xD00  }
0x64: {  	[sflag:s14] =	ssyncset.done @!p0 $0x0  }
0x65: {  	[sflag:s14] =	ssyncadd.s32 @!p0 $0xFFFFF300  }
0x66: {  	s14 =	simm.s32 $0x0;
	[bflag:$0x0] =	sbarrier.arrive $0xFFFF  }
0x67: {  	[tilespmem:s14], [sflag:$0x6] =	stream.linear.gather [hbm4b:s19+s14], $0x180, $0x38;
	[tilespmem:$0x1E980] =	vst v63  }
0x68: {  	s20 =	sadd.s32 $0x40, s19;
	s23 =	simm.s32 $0x200  }
0x69: {  	[tilespmem:s23], [sflag:$0x6] =	stream.linear.gather [hbm4b:s20+s14], $0x180, $0x38;
	[tilespmem:$0x1E980] =	vst v63  }
0x6a: {  	s18 =	simm.s32 $0x400;
	s17 =	sadd.s32 $0x80, s19  }
0x6b: {  	[tilespmem:s18], [sflag:$0x6] =	stream.linear.gather [hbm4b:s17+s14], $0x180, $0x38;
	[tilespmem:$0x1E980] =	vst v63  }
0x6c: {  	s20 =	sadd.s32 $0xC0, s19;
	s23 =	simm.s32 $0x600  }
0x6d: {  	[tilespmem:s23], [sflag:$0x6] =	stream.linear.gather [hbm4b:s20+s14], $0x180, $0x38;
	[tilespmem:$0x1E980] =	vst v63  }
0x6e: {  	s17 =	sadd.s32 $0x100, s19;
	s18 =	simm.s32 $0x800  }
0x6f: {  	[tilespmem:s18], [sflag:$0x6] =	stream.linear.gather [hbm4b:s17+s14], $0x180, $0x38;
	[tilespmem:$0x1E980] =	vst v63  }
0x70: {  	s20 =	sadd.s32 $0x140, s19;
	s23 =	simm.s32 $0xA00  }
0x71: {  	[tilespmem:s23], [sflag:$0x6] =	stream.linear.gather [hbm4b:s20+s14], $0x180, $0x38;
	[tilespmem:$0x1E980] =	vst v63  }
0x72: {  	s17 =	sadd.s32 $0x180, s19;
	s18 =	simm.s32 $0xC00  }
0x73: {  	[tilespmem:s18], [sflag:$0x6] =	stream.linear.gather [hbm4b:s17+s14], $0x180, $0x38;
	[tilespmem:$0x1E980] =	vst v63  }
0x74: {  	s20 =	sadd.s32 $0x1C0, s19;
	s23 =	simm.s32 $0xE00  }
0x75: {  	[tilespmem:s23], [sflag:$0x6] =	stream.linear.gather [hbm4b:s20+s14], $0x180, $0x38;
	[tilespmem:$0x1E980] =	vst v63  }
0x76: {  	s17 =	simm.s32 $0x0;
	_ =	swait.ge [sflag:s29], $0xC00  }
0x77: {  	s18 =	sshrl.u32 s15, $0x3;
	s14 =	sand.u32 $0x1000, s17;
	[sflag:s29] =	ssyncset.done $0x0  }
0x78: {  	s16 =	sadd.s32 s8, s18;
	s20 =	sxor.u32 $0x1000, s14;
	[sflag:s29] =	ssyncadd.s32 $0xFFFFF400  }
0x79: {  	[tilespmem:s20], [sflag:$0x6] =	stream.linear.gather [hbm4b:s16+s7], $0x180, $0x38;
	[tilespmem:$0x1E980] =	vst v63  }
0x7a: {  	s23 =	sadd.s32 $0x40, s16;
	s18 =	sxor.u32 $0x1200, s14  }
0x7b: {  	[tilespmem:s18], [sflag:$0x6] =	stream.linear.gather [hbm4b:s23+s7], $0x180, $0x38;
	[tilespmem:$0x1E980] =	vst v63  }
0x7c: {  	s20 =	sadd.s32 $0x80, s16;
	s23 =	sxor.u32 $0x1400, s14  }
0x7d: {  	[tilespmem:s23], [sflag:$0x6] =	stream.linear.gather [hbm4b:s20+s7], $0x180, $0x38;
	[tilespmem:$0x1E980] =	vst v63  }
0x7e: {  	s20 =	sadd.s32 $0xC0, s16;
	s23 =	sxor.u32 $0x1600, s14  }
0x7f: {  	[tilespmem:s23], [sflag:$0x6] =	stream.linear.gather [hbm4b:s20+s7], $0x180, $0x38;
	[tilespmem:$0x1E980] =	vst v63  }
0x80: {  	s20 =	sadd.s32 $0x100, s16;
	s23 =	sxor.u32 $0x1800, s14  }
0x81: {  	[tilespmem:s23], [sflag:$0x6] =	stream.linear.gather [hbm4b:s20+s7], $0x180, $0x38;
	[tilespmem:$0x1E980] =	vst v63  }
0x82: {  	s20 =	sadd.s32 $0x140, s16;
	s23 =	sxor.u32 $0x1A00, s14  }
0x83: {  	[tilespmem:s23], [sflag:$0x6] =	stream.linear.gather [hbm4b:s20+s7], $0x180, $0x38;
	[tilespmem:$0x1E980] =	vst v63  }
0x84: {  	s20 =	sadd.s32 $0x180, s16;
	s23 =	sxor.u32 $0x1C00, s14  }
0x85: {  	[tilespmem:s23], [sflag:$0x6] =	stream.linear.gather [hbm4b:s20+s7], $0x180, $0x38;
	[tilespmem:$0x1E980] =	vst v63  }
0x86: {  	s18 =	sxor.u32 $0x1E00, s14;
	s16 =	sadd.s32 $0x1C0, s16  }
0x87: {  	[tilespmem:s18], [sflag:$0x6] =	stream.linear.gather [hbm4b:s16+s7], $0x180, $0x38;
	[tilespmem:$0x1E980] =	vst v63  }
0x88: {  	_ = 	snop  }
0x89: {  	[tilespmem:s31], [sflag:$0x1] =	stream.indirect.gather [hbm4b:s0+s30], $0x80, s14, s30, $0xb8;
	[tilespmem:$0x1E980] =	vst v63  }
0x8a: {  	s20 =	sor.u32 $0x200, s14  }
0x8b: {  	[tilespmem:s25], [sflag:$0x2] =	stream.indirect.gather [spmem:s3], $0x80, s20, s30, $0xb8;
	[tilespmem:$0x1E980] =	vst v63  }
0x8c: {  	_ =	swait.ge [sflag:s4], $0x4000  }
0x8d: {  	[sflag:s4] =	ssyncset.done $0x0  }
0x8e: {  	s23 =	sor.u32 $0x80, s14;
	[sflag:s4] =	ssyncadd.s32 $0xFFFFC000  }
0x8f: {  	[spmem:s2] =	stream.indirect.scatter.add.f32 [tilespmem:s31], [sflag:$0x3], $0x80, s23, s30, $0xb8;
	[tilespmem:$0x1E980] =	vst v63  }
0x90: {  	_ =	swait.ge [sflag:s1], $0x4000  }
0x91: {  	[sflag:s1] =	ssyncset.done $0x0  }
0x92: {  	s17 =	sor.u32 $0x400, s14;
	[sflag:s1] =	ssyncadd.s32 $0xFFFFC000  }
0x93: {  	[tilespmem:s31], [sflag:$0x1] =	stream.indirect.gather [hbm4b:s0+s30], $0x80, s17, s30, $0xb8;
	[tilespmem:$0x1E980] =	vst v63  }
0x94: {  	_ =	swait.ge [sflag:s28], $0x4000  }
0x95: {  	[sflag:s28] =	ssyncset.done $0x0  }
0x96: {  	s18 =	sor.u32 $0x280, s14;
	[sflag:s28] =	ssyncadd.s32 $0xFFFFC000  }
0x97: {  	[spmem:s2] =	stream.indirect.scatter.add.f32 [tilespmem:s25], [sflag:$0x4], $0x80, s18, s30, $0xb8;
	[tilespmem:$0x1E980] =	vst v63  }
0x98: {  	_ =	swait.ge [sflag:s5], $0x4000  }
0x99: {  	[sflag:s5] =	ssyncset.done $0x0  }
0x9a: {  	s20 =	sor.u32 $0x600, s14;
	[sflag:s5] =	ssyncadd.s32 $0xFFFFC000  }
0x9b: {  	[tilespmem:s25], [sflag:$0x2] =	stream.indirect.gather [spmem:s3], $0x80, s20, s30, $0xb8;
	[tilespmem:$0x1E980] =	vst v63  }
0x9c: {  	_ =	swait.ge [sflag:s4], $0x4000  }
0x9d: {  	[sflag:s4] =	ssyncset.done $0x0  }
0x9e: {  	s23 =	sor.u32 $0x480, s14;
	[sflag:s4] =	ssyncadd.s32 $0xFFFFC000  }
0x9f: {  	[spmem:s2] =	stream.indirect.scatter.add.f32 [tilespmem:s31], [sflag:$0x3], $0x80, s23, s30, $0xb8;
	[tilespmem:$0x1E980] =	vst v63  }
0xa0: {  	_ =	swait.ge [sflag:s1], $0x4000  }
0xa1: {  	[sflag:s1] =	ssyncset.done $0x0  }
0xa2: {  	s17 =	sor.u32 $0x800, s14;
	[sflag:s1] =	ssyncadd.s32 $0xFFFFC000  }
0xa3: {  	[tilespmem:s31], [sflag:$0x1] =	stream.indirect.gather [hbm4b:s0+s30], $0x80, s17, s30, $0xb8;
	[tilespmem:$0x1E980] =	vst v63  }
0xa4: {  	_ =	swait.ge [sflag:s28], $0x4000  }
0xa5: {  	[sflag:s28] =	ssyncset.done $0x0  }
0xa6: {  	s18 =	sor.u32 $0x680, s14;
	[sflag:s28] =	ssyncadd.s32 $0xFFFFC000  }
0xa7: {  	[spmem:s2] =	stream.indirect.scatter.add.f32 [tilespmem:s25], [sflag:$0x4], $0x80, s18, s30, $0xb8;
	[tilespmem:$0x1E980] =	vst v63  }
0xa8: {  	_ =	swait.ge [sflag:s5], $0x4000  }
0xa9: {  	[sflag:s5] =	ssyncset.done $0x0  }
0xaa: {  	s20 =	sor.u32 $0xA00, s14;
	[sflag:s5] =	ssyncadd.s32 $0xFFFFC000  }
0xab: {  	[tilespmem:s25], [sflag:$0x2] =	stream.indirect.gather [spmem:s3], $0x80, s20, s30, $0xb8;
	[tilespmem:$0x1E980] =	vst v63  }
0xac: {  	_ =	swait.ge [sflag:s4], $0x4000  }
0xad: {  	[sflag:s4] =	ssyncset.done $0x0  }
0xae: {  	s23 =	sor.u32 $0x880, s14;
	[sflag:s4] =	ssyncadd.s32 $0xFFFFC000  }
0xaf: {  	[spmem:s2] =	stream.indirect.scatter.add.f32 [tilespmem:s31], [sflag:$0x3], $0x80, s23, s30, $0xb8;
	[tilespmem:$0x1E980] =	vst v63  }
0xb0: {  	_ =	swait.ge [sflag:s1], $0x4000  }
0xb1: {  	[sflag:s1] =	ssyncset.done $0x0  }
0xb2: {  	s17 =	sor.u32 $0xC00, s14;
	[sflag:s1] =	ssyncadd.s32 $0xFFFFC000  }
0xb3: {  	[tilespmem:s31], [sflag:$0x1] =	stream.indirect.gather [hbm4b:s0+s30], $0x80, s17, s30, $0xb8;
	[tilespmem:$0x1E980] =	vst v63  }
0xb4: {  	_ =	swait.ge [sflag:s28], $0x4000  }
0xb5: {  	[sflag:s28] =	ssyncset.done $0x0  }
0xb6: {  	s18 =	sor.u32 $0xA80, s14;
	[sflag:s28] =	ssyncadd.s32 $0xFFFFC000  }
0xb7: {  	[spmem:s2] =	stream.indirect.scatter.add.f32 [tilespmem:s25], [sflag:$0x4], $0x80, s18, s30, $0xb8;
	[tilespmem:$0x1E980] =	vst v63  }
0xb8: {  	_ =	swait.ge [sflag:s5], $0x4000  }
0xb9: {  	[sflag:s5] =	ssyncset.done $0x0  }
0xba: {  	s20 =	sor.u32 $0xE00, s14;
	[sflag:s5] =	ssyncadd.s32 $0xFFFFC000  }
0xbb: {  	[tilespmem:s25], [sflag:$0x2] =	stream.indirect.gather [spmem:s3], $0x80, s20, s30, $0xb8;
	[tilespmem:$0x1E980] =	vst v63  }
0xbc: {  	_ =	swait.ge [sflag:s4], $0x4000  }
0xbd: {  	[sflag:s4] =	ssyncset.done $0x0  }
0xbe: {  	s23 =	sor.u32 $0xC80, s14;
	[sflag:s4] =	ssyncadd.s32 $0xFFFFC000  }
0xbf: {  	[spmem:s2] =	stream.indirect.scatter.add.f32 [tilespmem:s31], [sflag:$0x3], $0x80, s23, s30, $0xb8;
	[tilespmem:$0x1E980] =	vst v63  }
0xc0: {  	_ =	swait.ge [sflag:s28], $0x4000  }
0xc1: {  	[sflag:s28] =	ssyncset.done $0x0  }
0xc2: {  	s14 =	sor.u32 $0xE80, s14;
	[sflag:s28] =	ssyncadd.s32 $0xFFFFC000  }
0xc3: {  	[spmem:s2] =	stream.indirect.scatter.add.f32 [tilespmem:s25], [sflag:$0x4], $0x80, s14, s30, $0xb8;
	[tilespmem:$0x1E980] =	vst v63  }
0xc4: {  	_ =	swait.ge [sflag:s1], $0x4000  }
0xc5: {  	[sflag:s1] =	ssyncset.done $0x0  }
0xc6: {  	[sflag:s1] =	ssyncadd.s32 $0xFFFFC000  }
0xc7: {  	_ =	swait.ge [sflag:s5], $0x4000  }
0xc8: {  	s23 =	smov.u32 s15;
	s14 =	simm.s32 $0x1;
	[sflag:s5] =	ssyncset.done $0x0  }
.LBB2_4:
0xc9: {  	p1 =	sne.s32 s14, $0x13;
	[sflag:s5] =	ssyncadd.s32 $0xFFFFC000;
	s23 =	sadd.s32 $0x1000, s23  }
0xca: {  	s16 =	sshll.u32 s14, $0xC;
	s14 =	sadd.s32 $0x1, s14;
	_ =	swait.ge [sflag:s29], $0xC00  }
0xcb: {  	s16 =	sand.u32 $0x1000, s16;
	s17 =	sshrl.u32 s23, $0x3;
	[sflag:s29] =	ssyncset.done $0x0  }
0xcc: {  	s18 =	sxor.u32 $0x1000, s16;
	s17 =	sadd.s32 s8, s17;
	[sflag:s29] =	ssyncadd.s32 $0xFFFFF400  }
0xcd: {  	[tilespmem:s18], [sflag:$0x6] =	stream.linear.gather [hbm4b:s17+s7], $0x180, $0x38;
	[tilespmem:$0x1E980] =	vst v63  }
0xce: {  	s20 =	sxor.u32 $0x1200, s16;
	s18 =	sadd.s32 $0x40, s17  }
0xcf: {  	[tilespmem:s20], [sflag:$0x6] =	stream.linear.gather [hbm4b:s18+s7], $0x180, $0x38;
	[tilespmem:$0x1E980] =	vst v63  }
0xd0: {  	s18 =	sadd.s32 $0x80, s17;
	s20 =	sxor.u32 $0x1400, s16  }
0xd1: {  	[tilespmem:s20], [sflag:$0x6] =	stream.linear.gather [hbm4b:s18+s7], $0x180, $0x38;
	[tilespmem:$0x1E980] =	vst v63  }
0xd2: {  	s18 =	sadd.s32 $0xC0, s17;
	s20 =	sxor.u32 $0x1600, s16  }
0xd3: {  	[tilespmem:s20], [sflag:$0x6] =	stream.linear.gather [hbm4b:s18+s7], $0x180, $0x38;
	[tilespmem:$0x1E980] =	vst v63  }
0xd4: {  	s18 =	sadd.s32 $0x100, s17;
	s20 =	sxor.u32 $0x1800, s16  }
0xd5: {  	[tilespmem:s20], [sflag:$0x6] =	stream.linear.gather [hbm4b:s18+s7], $0x180, $0x38;
	[tilespmem:$0x1E980] =	vst v63  }
0xd6: {  	s18 =	sadd.s32 $0x140, s17;
	s20 =	sxor.u32 $0x1A00, s16  }
0xd7: {  	[tilespmem:s20], [sflag:$0x6] =	stream.linear.gather [hbm4b:s18+s7], $0x180, $0x38;
	[tilespmem:$0x1E980] =	vst v63  }
0xd8: {  	s18 =	sadd.s32 $0x180, s17;
	s20 =	sxor.u32 $0x1C00, s16  }
0xd9: {  	[tilespmem:s20], [sflag:$0x6] =	stream.linear.gather [hbm4b:s18+s7], $0x180, $0x38;
	[tilespmem:$0x1E980] =	vst v63  }
0xda: {  	s17 =	sadd.s32 $0x1C0, s17;
	s18 =	sxor.u32 $0x1E00, s16  }
0xdb: {  	[tilespmem:s18], [sflag:$0x6] =	stream.linear.gather [hbm4b:s17+s7], $0x180, $0x38;
	[tilespmem:$0x1E980] =	vst v63  }
0xdc: {  	_ = 	snop  }
0xdd: {  	[tilespmem:s31], [sflag:$0x1] =	stream.indirect.gather [hbm4b:s0+s30], $0x80, s16, s30, $0xb8;
	[tilespmem:$0x1E980] =	vst v63  }
0xde: {  	s17 =	sor.u32 $0x200, s16  }
0xdf: {  	[tilespmem:s25], [sflag:$0x2] =	stream.indirect.gather [spmem:s3], $0x80, s17, s30, $0xb8;
	[tilespmem:$0x1E980] =	vst v63  }
0xe0: {  	_ =	swait.ge [sflag:s4], $0x4000  }
0xe1: {  	[sflag:s4] =	ssyncset.done $0x0  }
0xe2: {  	s17 =	sor.u32 $0x80, s16;
	[sflag:s4] =	ssyncadd.s32 $0xFFFFC000  }
0xe3: {  	[spmem:s2] =	stream.indirect.scatter.add.f32 [tilespmem:s31], [sflag:$0x3], $0x80, s17, s30, $0xb8;
	[tilespmem:$0x1E980] =	vst v63  }
0xe4: {  	_ =	swait.ge [sflag:s1], $0x4000  }
0xe5: {  	[sflag:s1] =	ssyncset.done $0x0  }
0xe6: {  	s17 =	sor.u32 $0x400, s16;
	[sflag:s1] =	ssyncadd.s32 $0xFFFFC000  }
0xe7: {  	[tilespmem:s31], [sflag:$0x1] =	stream.indirect.gather [hbm4b:s0+s30], $0x80, s17, s30, $0xb8;
	[tilespmem:$0x1E980] =	vst v63  }
0xe8: {  	_ =	swait.ge [sflag:s28], $0x4000  }
0xe9: {  	[sflag:s28] =	ssyncset.done $0x0  }
0xea: {  	s17 =	sor.u32 $0x280, s16;
	[sflag:s28] =	ssyncadd.s32 $0xFFFFC000  }
0xeb: {  	[spmem:s2] =	stream.indirect.scatter.add.f32 [tilespmem:s25], [sflag:$0x4], $0x80, s17, s30, $0xb8;
	[tilespmem:$0x1E980] =	vst v63  }
0xec: {  	_ =	swait.ge [sflag:s5], $0x4000  }
0xed: {  	[sflag:s5] =	ssyncset.done $0x0  }
0xee: {  	s17 =	sor.u32 $0x600, s16;
	[sflag:s5] =	ssyncadd.s32 $0xFFFFC000  }
0xef: {  	[tilespmem:s25], [sflag:$0x2] =	stream.indirect.gather [spmem:s3], $0x80, s17, s30, $0xb8;
	[tilespmem:$0x1E980] =	vst v63  }
0xf0: {  	_ =	swait.ge [sflag:s4], $0x4000  }
0xf1: {  	[sflag:s4] =	ssyncset.done $0x0  }
0xf2: {  	s17 =	sor.u32 $0x480, s16;
	[sflag:s4] =	ssyncadd.s32 $0xFFFFC000  }
0xf3: {  	[spmem:s2] =	stream.indirect.scatter.add.f32 [tilespmem:s31], [sflag:$0x3], $0x80, s17, s30, $0xb8;
	[tilespmem:$0x1E980] =	vst v63  }
0xf4: {  	_ =	swait.ge [sflag:s1], $0x4000  }
0xf5: {  	[sflag:s1] =	ssyncset.done $0x0  }
0xf6: {  	s17 =	sor.u32 $0x800, s16;
	[sflag:s1] =	ssyncadd.s32 $0xFFFFC000  }
0xf7: {  	[tilespmem:s31], [sflag:$0x1] =	stream.indirect.gather [hbm4b:s0+s30], $0x80, s17, s30, $0xb8;
	[tilespmem:$0x1E980] =	vst v63  }
0xf8: {  	_ =	swait.ge [sflag:s28], $0x4000  }
0xf9: {  	[sflag:s28] =	ssyncset.done $0x0  }
0xfa: {  	s17 =	sor.u32 $0x680, s16;
	[sflag:s28] =	ssyncadd.s32 $0xFFFFC000  }
0xfb: {  	[spmem:s2] =	stream.indirect.scatter.add.f32 [tilespmem:s25], [sflag:$0x4], $0x80, s17, s30, $0xb8;
	[tilespmem:$0x1E980] =	vst v63  }
0xfc: {  	_ =	swait.ge [sflag:s5], $0x4000  }
0xfd: {  	[sflag:s5] =	ssyncset.done $0x0  }
0xfe: {  	s17 =	sor.u32 $0xA00, s16;
	[sflag:s5] =	ssyncadd.s32 $0xFFFFC000  }
0xff: {  	[tilespmem:s25], [sflag:$0x2] =	stream.indirect.gather [spmem:s3], $0x80, s17, s30, $0xb8;
	[tilespmem:$0x1E980] =	vst v63  }
0x100: {  	_ =	swait.ge [sflag:s4], $0x4000  }
0x101: {  	[sflag:s4] =	ssyncset.done $0x0  }
0x102: {  	s17 =	sor.u32 $0x880, s16;
	[sflag:s4] =	ssyncadd.s32 $0xFFFFC000  }
0x103: {  	[spmem:s2] =	stream.indirect.scatter.add.f32 [tilespmem:s31], [sflag:$0x3], $0x80, s17, s30, $0xb8;
	[tilespmem:$0x1E980] =	vst v63  }
0x104: {  	_ =	swait.ge [sflag:s1], $0x4000  }
0x105: {  	[sflag:s1] =	ssyncset.done $0x0  }
0x106: {  	s17 =	sor.u32 $0xC00, s16;
	[sflag:s1] =	ssyncadd.s32 $0xFFFFC000  }
0x107: {  	[tilespmem:s31], [sflag:$0x1] =	stream.indirect.gather [hbm4b:s0+s30], $0x80, s17, s30, $0xb8;
	[tilespmem:$0x1E980] =	vst v63  }
0x108: {  	_ =	swait.ge [sflag:s28], $0x4000  }
0x109: {  	[sflag:s28] =	ssyncset.done $0x0  }
0x10a: {  	s17 =	sor.u32 $0xA80, s16;
	[sflag:s28] =	ssyncadd.s32 $0xFFFFC000  }
0x10b: {  	[spmem:s2] =	stream.indirect.scatter.add.f32 [tilespmem:s25], [sflag:$0x4], $0x80, s17, s30, $0xb8;
	[tilespmem:$0x1E980] =	vst v63  }
0x10c: {  	_ =	swait.ge [sflag:s5], $0x4000  }
0x10d: {  	[sflag:s5] =	ssyncset.done $0x0  }
0x10e: {  	s17 =	sor.u32 $0xE00, s16;
	[sflag:s5] =	ssyncadd.s32 $0xFFFFC000  }
0x10f: {  	[tilespmem:s25], [sflag:$0x2] =	stream.indirect.gather [spmem:s3], $0x80, s17, s30, $0xb8;
	[tilespmem:$0x1E980] =	vst v63  }
0x110: {  	_ =	swait.ge [sflag:s4], $0x4000  }
0x111: {  	[sflag:s4] =	ssyncset.done $0x0  }
0x112: {  	s17 =	sor.u32 $0xC80, s16;
	[sflag:s4] =	ssyncadd.s32 $0xFFFFC000  }
0x113: {  	[spmem:s2] =	stream.indirect.scatter.add.f32 [tilespmem:s31], [sflag:$0x3], $0x80, s17, s30, $0xb8;
	[tilespmem:$0x1E980] =	vst v63  }
0x114: {  	_ =	swait.ge [sflag:s28], $0x4000  }
0x115: {  	[sflag:s28] =	ssyncset.done $0x0  }
0x116: {  	s16 =	sor.u32 $0xE80, s16;
	[sflag:s28] =	ssyncadd.s32 $0xFFFFC000  }
0x117: {  	[spmem:s2] =	stream.indirect.scatter.add.f32 [tilespmem:s25], [sflag:$0x4], $0x80, s16, s30, $0xb8;
	[tilespmem:$0x1E980] =	vst v63  }
.Ltmp1:
0x118: {  	_ =	swait.ge [sflag:s1], $0x4000;
	(pc) =	sbr.rel @p1 .LBB2_4-.Ltmp1, $4  }
0x119: {  	[sflag:s1] =	ssyncset.done $0x0  }
0x11a: {  	[sflag:s1] =	ssyncadd.s32 $0xFFFFC000  }
0x11b: {  	_ =	swait.ge [sflag:s5], $0x4000  }
0x11c: {  	[sflag:s5] =	ssyncset.done $0x0  }
0x11d: {  	[sflag:s5] =	ssyncadd.s32 $0xFFFFC000  }
0x11e: {  	_ =	swait.ge [sflag:s29], $0xC00  }
0x11f: {  	s14 =	simm.s32 $0x0;
	[sflag:s29] =	ssyncset.done $0x0  }
0x120: {  	s14 =	sand.u32 $0x1000, s14;
	[sflag:s29] =	ssyncadd.s32 $0xFFFFF400  }
0x121: {  	[tilespmem:s14], [sflag:$0x7] =	stream.linear.gather [hbm4b:s24+s7], $0x180, $0x38;
	[tilespmem:$0x1E980] =	vst v63  }
0x122: {  	s16 =	sadd.s32 $0x40, s24;
	s17 =	sor.u32 $0x200, s14  }
0x123: {  	[tilespmem:s17], [sflag:$0x7] =	stream.linear.gather [hbm4b:s16+s7], $0x180, $0x38;
	[tilespmem:$0x1E980] =	vst v63  }
0x124: {  	s18 =	sor.u32 $0x400, s14;
	s17 =	sadd.s32 $0x80, s24  }
0x125: {  	[tilespmem:s18], [sflag:$0x7] =	stream.linear.gather [hbm4b:s17+s7], $0x180, $0x38;
	[tilespmem:$0x1E980] =	vst v63  }
0x126: {  	s20 =	sadd.s32 $0xC0, s24;
	s23 =	sor.u32 $0x600, s14  }
0x127: {  	[tilespmem:s23], [sflag:$0x7] =	stream.linear.gather [hbm4b:s20+s7], $0x180, $0x38;
	[tilespmem:$0x1E980] =	vst v63  }
0x128: {  	s17 =	sadd.s32 $0x100, s24;
	s18 =	sor.u32 $0x800, s14  }
0x129: {  	[tilespmem:s18], [sflag:$0x7] =	stream.linear.gather [hbm4b:s17+s7], $0x180, $0x38;
	[tilespmem:$0x1E980] =	vst v63  }
0x12a: {  	s20 =	sadd.s32 $0x140, s24;
	s23 =	sor.u32 $0xA00, s14  }
0x12b: {  	[tilespmem:s23], [sflag:$0x7] =	stream.linear.gather [hbm4b:s20+s7], $0x180, $0x38;
	[tilespmem:$0x1E980] =	vst v63  }
0x12c: {  	s17 =	sadd.s32 $0x180, s24;
	s18 =	sor.u32 $0xC00, s14  }
0x12d: {  	[tilespmem:s18], [sflag:$0x7] =	stream.linear.gather [hbm4b:s17+s7], $0x180, $0x38;
	[tilespmem:$0x1E980] =	vst v63  }
0x12e: {  	s20 =	sadd.s32 $0x1C0, s24;
	s23 =	sor.u32 $0xE00, s14  }
0x12f: {  	[tilespmem:s23], [sflag:$0x7] =	stream.linear.gather [hbm4b:s20+s7], $0x180, $0x38;
	[tilespmem:$0x1E980] =	vst v63  }
0x130: {  	_ =	swait.ge [sflag:s26], $0xC00  }
0x131: {  	[sflag:s26] =	ssyncset.done $0x0  }
0x132: {  	s18 =	sor.u32 $0x100, s14;
	[sflag:s26] =	ssyncadd.s32 $0xFFFFF400  }
0x133: {  	[spmem:s6] =	stream.indirect.scatter.add.f32 [tilespmem:s11], [sflag:$0x5], $0x1, s18, s30, $0xb8;
	[tilespmem:$0x1E980] =	vst v63  }
0x134: {  	s20 =	sor.u32 $0x300, s14  }
0x135: {  	[spmem:s6] =	stream.indirect.scatter.add.f32 [tilespmem:s11], [sflag:$0x5], $0x1, s20, s30, $0xb8;
	[tilespmem:$0x1E980] =	vst v63  }
0x136: {  	s23 =	sor.u32 $0x500, s14  }
0x137: {  	[spmem:s6] =	stream.indirect.scatter.add.f32 [tilespmem:s11], [sflag:$0x5], $0x1, s23, s30, $0xb8;
	[tilespmem:$0x1E980] =	vst v63  }
0x138: {  	s17 =	sor.u32 $0x700, s14  }
0x139: {  	[spmem:s6] =	stream.indirect.scatter.add.f32 [tilespmem:s11], [sflag:$0x5], $0x1, s17, s30, $0xb8;
	[tilespmem:$0x1E980] =	vst v63  }
0x13a: {  	s18 =	sor.u32 $0x900, s14  }
0x13b: {  	[spmem:s6] =	stream.indirect.scatter.add.f32 [tilespmem:s11], [sflag:$0x5], $0x1, s18, s30, $0xb8;
	[tilespmem:$0x1E980] =	vst v63  }
0x13c: {  	s20 =	sor.u32 $0xB00, s14  }
0x13d: {  	[spmem:s6] =	stream.indirect.scatter.add.f32 [tilespmem:s11], [sflag:$0x5], $0x1, s20, s30, $0xb8;
	[tilespmem:$0x1E980] =	vst v63  }
0x13e: {  	s23 =	sor.u32 $0xD00, s14  }
0x13f: {  	[spmem:s6] =	stream.indirect.scatter.add.f32 [tilespmem:s11], [sflag:$0x5], $0x1, s23, s30, $0xb8;
	[tilespmem:$0x1E980] =	vst v63  }
0x140: {  	s14 =	sor.u32 $0xF00, s14  }
0x141: {  	[spmem:s6] =	stream.indirect.scatter.add.f32 [tilespmem:s11], [sflag:$0x5], $0x1, s14, s30, $0xb8;
	[tilespmem:$0x1E980] =	vst v63  }
0x142: {  	_ =	swait.ge [sflag:s12], $0x80  }
0x143: {  	[sflag:s12] =	ssyncset.done $0x0  }
0x144: {  	[sflag:s12] =	ssyncadd.s32 $0xFFFFFF80  }
0x145: {  	_ =	swait.ge [sflag:s12], $0x80  }
0x146: {  	[sflag:s12] =	ssyncset.done $0x0  }
0x147: {  	[sflag:s12] =	ssyncadd.s32 $0xFFFFFF80  }
0x148: {  	_ =	swait.ge [sflag:s12], $0x80  }
0x149: {  	[sflag:s12] =	ssyncset.done $0x0  }
0x14a: {  	[sflag:s12] =	ssyncadd.s32 $0xFFFFFF80  }
0x14b: {  	_ =	swait.ge [sflag:s12], $0x80  }
0x14c: {  	[sflag:s12] =	ssyncset.done $0x0  }
0x14d: {  	[sflag:s12] =	ssyncadd.s32 $0xFFFFFF80  }
0x14e: {  	_ =	swait.ge [sflag:s12], $0x80  }
0x14f: {  	[sflag:s12] =	ssyncset.done $0x0  }
0x150: {  	[sflag:s12] =	ssyncadd.s32 $0xFFFFFF80  }
0x151: {  	_ =	swait.ge [sflag:s12], $0x80  }
0x152: {  	[sflag:s12] =	ssyncset.done $0x0  }
0x153: {  	[sflag:s12] =	ssyncadd.s32 $0xFFFFFF80  }
0x154: {  	_ =	swait.ge [sflag:s12], $0x80  }
0x155: {  	[sflag:s12] =	ssyncset.done $0x0  }
0x156: {  	[sflag:s12] =	ssyncadd.s32 $0xFFFFFF80  }
0x157: {  	s16 =	simm.s32 $0x8000;
	_ =	swait.ge [sflag:s12], $0x80  }
0x158: {  	s17 =	simm.s32 $0x1000;
	s14 =	sadd.s32 $0x200, s24;
	[sflag:s12] =	ssyncset.done $0x0  }
.LBB2_6:
0x159: {  	s17 =	sand.u32 $0x1000, s17  }
0x15a: {  	[sflag:s12] =	ssyncadd.s32 $0xFFFFFF80;
	s23 =	smov.u32 s16;
	s18 =	sadd.s32 $0x4000, s16  }
0x15b: {  	[tilespmem:s17], [sflag:$0x7] =	stream.linear.gather [hbm4b:s14+s7], $0x180, $0x38;
	[tilespmem:$0x1E980] =	vst v63  }
0x15c: {  	p1 =	sne.s32 s16, $0x24000;
	s16 =	sadd.s32 $0x40, s14;
	s20 =	sor.u32 $0x200, s17  }
0x15d: {  	[tilespmem:s20], [sflag:$0x7] =	stream.linear.gather [hbm4b:s16+s7], $0x180, $0x38;
	[tilespmem:$0x1E980] =	vst v63  }
0x15e: {  	s16 =	sadd.s32 $0x80, s14;
	s20 =	sor.u32 $0x400, s17  }
0x15f: {  	[tilespmem:s20], [sflag:$0x7] =	stream.linear.gather [hbm4b:s16+s7], $0x180, $0x38;
	[tilespmem:$0x1E980] =	vst v63  }
0x160: {  	s16 =	sadd.s32 $0xC0, s14;
	s20 =	sor.u32 $0x600, s17  }
0x161: {  	[tilespmem:s20], [sflag:$0x7] =	stream.linear.gather [hbm4b:s16+s7], $0x180, $0x38;
	[tilespmem:$0x1E980] =	vst v63  }
0x162: {  	s16 =	sadd.s32 $0x100, s14;
	s20 =	sor.u32 $0x800, s17  }
0x163: {  	[tilespmem:s20], [sflag:$0x7] =	stream.linear.gather [hbm4b:s16+s7], $0x180, $0x38;
	[tilespmem:$0x1E980] =	vst v63  }
0x164: {  	s16 =	sadd.s32 $0x140, s14;
	s20 =	sor.u32 $0xA00, s17  }
0x165: {  	[tilespmem:s20], [sflag:$0x7] =	stream.linear.gather [hbm4b:s16+s7], $0x180, $0x38;
	[tilespmem:$0x1E980] =	vst v63  }
0x166: {  	s16 =	sadd.s32 $0x180, s14;
	s20 =	sor.u32 $0xC00, s17  }
0x167: {  	[tilespmem:s20], [sflag:$0x7] =	stream.linear.gather [hbm4b:s16+s7], $0x180, $0x38;
	[tilespmem:$0x1E980] =	vst v63  }
0x168: {  	s16 =	sadd.s32 $0x1C0, s14;
	s20 =	sor.u32 $0xE00, s17  }
0x169: {  	[tilespmem:s20], [sflag:$0x7] =	stream.linear.gather [hbm4b:s16+s7], $0x180, $0x38;
	[tilespmem:$0x1E980] =	vst v63  }
0x16a: {  	_ =	swait.ge [sflag:s26], $0xC00  }
0x16b: {  	[sflag:s26] =	ssyncset.done $0x0  }
0x16c: {  	s16 =	sor.u32 $0x100, s17;
	[sflag:s26] =	ssyncadd.s32 $0xFFFFF400  }
0x16d: {  	[spmem:s6] =	stream.indirect.scatter.add.f32 [tilespmem:s11], [sflag:$0x5], $0x1, s16, s30, $0xb8;
	[tilespmem:$0x1E980] =	vst v63  }
0x16e: {  	s16 =	sor.u32 $0x300, s17  }
0x16f: {  	[spmem:s6] =	stream.indirect.scatter.add.f32 [tilespmem:s11], [sflag:$0x5], $0x1, s16, s30, $0xb8;
	[tilespmem:$0x1E980] =	vst v63  }
0x170: {  	s16 =	sor.u32 $0x500, s17  }
0x171: {  	[spmem:s6] =	stream.indirect.scatter.add.f32 [tilespmem:s11], [sflag:$0x5], $0x1, s16, s30, $0xb8;
	[tilespmem:$0x1E980] =	vst v63  }
0x172: {  	s16 =	sor.u32 $0x700, s17  }
0x173: {  	[spmem:s6] =	stream.indirect.scatter.add.f32 [tilespmem:s11], [sflag:$0x5], $0x1, s16, s30, $0xb8;
	[tilespmem:$0x1E980] =	vst v63  }
0x174: {  	s16 =	sor.u32 $0x900, s17  }
0x175: {  	[spmem:s6] =	stream.indirect.scatter.add.f32 [tilespmem:s11], [sflag:$0x5], $0x1, s16, s30, $0xb8;
	[tilespmem:$0x1E980] =	vst v63  }
0x176: {  	s16 =	sor.u32 $0xB00, s17  }
0x177: {  	[spmem:s6] =	stream.indirect.scatter.add.f32 [tilespmem:s11], [sflag:$0x5], $0x1, s16, s30, $0xb8;
	[tilespmem:$0x1E980] =	vst v63  }
0x178: {  	s16 =	sor.u32 $0xD00, s17  }
0x179: {  	[spmem:s6] =	stream.indirect.scatter.add.f32 [tilespmem:s11], [sflag:$0x5], $0x1, s16, s30, $0xb8;
	[tilespmem:$0x1E980] =	vst v63  }
0x17a: {  	s16 =	sor.u32 $0xF00, s17  }
0x17b: {  	[spmem:s6] =	stream.indirect.scatter.add.f32 [tilespmem:s11], [sflag:$0x5], $0x1, s16, s30, $0xb8;
	[tilespmem:$0x1E980] =	vst v63  }
0x17c: {  	_ =	swait.ge [sflag:s12], $0x80  }
0x17d: {  	[sflag:s12] =	ssyncset.done $0x0  }
0x17e: {  	[sflag:s12] =	ssyncadd.s32 $0xFFFFFF80  }
0x17f: {  	_ =	swait.ge [sflag:s12], $0x80  }
0x180: {  	[sflag:s12] =	ssyncset.done $0x0  }
0x181: {  	[sflag:s12] =	ssyncadd.s32 $0xFFFFFF80  }
0x182: {  	_ =	swait.ge [sflag:s12], $0x80  }
0x183: {  	[sflag:s12] =	ssyncset.done $0x0  }
0x184: {  	[sflag:s12] =	ssyncadd.s32 $0xFFFFFF80  }
0x185: {  	_ =	swait.ge [sflag:s12], $0x80  }
0x186: {  	[sflag:s12] =	ssyncset.done $0x0  }
0x187: {  	[sflag:s12] =	ssyncadd.s32 $0xFFFFFF80  }
0x188: {  	_ =	swait.ge [sflag:s12], $0x80  }
0x189: {  	[sflag:s12] =	ssyncset.done $0x0  }
0x18a: {  	[sflag:s12] =	ssyncadd.s32 $0xFFFFFF80  }
0x18b: {  	_ =	swait.ge [sflag:s12], $0x80  }
0x18c: {  	[sflag:s12] =	ssyncset.done $0x0  }
0x18d: {  	[sflag:s12] =	ssyncadd.s32 $0xFFFFFF80  }
.Ltmp2:
0x18e: {  	_ =	swait.ge [sflag:s12], $0x80;
	(pc) =	sbr.rel @p1 .LBB2_6-.Ltmp2, $4  }
0x18f: {  	[sflag:s12] =	ssyncset.done $0x0  }
0x190: {  	[sflag:s12] =	ssyncadd.s32 $0xFFFFFF80  }
0x191: {  	s14 =	sadd.s32 $0x200, s14;
	_ =	swait.ge [sflag:s12], $0x80  }
0x192: {  	s17 =	sshrl.u32 s23, $0x2;
	s16 =	smov.u32 s18;
	[sflag:s12] =	ssyncset.done $0x0  }
0x193: {  	s16 =	sand.u32 $0x1000, s17;
	[sflag:s12] =	ssyncadd.s32 $0xFFFFFF80  }
0x194: {  	[tilespmem:s16], [sflag:$0x7] =	stream.linear.gather [hbm4b:s14+s7], $0x180, $0x38;
	[tilespmem:$0x1E980] =	vst v63  }
0x195: {  	s23 =	sadd.s32 $0x40, s14;
	s18 =	sor.u32 $0x200, s16  }
0x196: {  	[tilespmem:s18], [sflag:$0x7] =	stream.linear.gather [hbm4b:s23+s7], $0x180, $0x38;
	[tilespmem:$0x1E980] =	vst v63  }
0x197: {  	s20 =	sadd.s32 $0x80, s14;
	s23 =	sor.u32 $0x400, s16  }
0x198: {  	[tilespmem:s23], [sflag:$0x7] =	stream.linear.gather [hbm4b:s20+s7], $0x180, $0x38;
	[tilespmem:$0x1E980] =	vst v63  }
0x199: {  	s20 =	sadd.s32 $0xC0, s14;
	s23 =	sor.u32 $0x600, s16  }
0x19a: {  	[tilespmem:s23], [sflag:$0x7] =	stream.linear.gather [hbm4b:s20+s7], $0x180, $0x38;
	[tilespmem:$0x1E980] =	vst v63  }
0x19b: {  	s20 =	sadd.s32 $0x100, s14;
	s23 =	sor.u32 $0x800, s16  }
0x19c: {  	[tilespmem:s23], [sflag:$0x7] =	stream.linear.gather [hbm4b:s20+s7], $0x180, $0x38;
	[tilespmem:$0x1E980] =	vst v63  }
0x19d: {  	s20 =	sadd.s32 $0x140, s14;
	s23 =	sor.u32 $0xA00, s16  }
0x19e: {  	[tilespmem:s23], [sflag:$0x7] =	stream.linear.gather [hbm4b:s20+s7], $0x180, $0x38;
	[tilespmem:$0x1E980] =	vst v63  }
0x19f: {  	s20 =	sadd.s32 $0x180, s14;
	s23 =	sor.u32 $0xC00, s16  }
0x1a0: {  	[tilespmem:s23], [sflag:$0x7] =	stream.linear.gather [hbm4b:s20+s7], $0x180, $0x38;
	[tilespmem:$0x1E980] =	vst v63  }
0x1a1: {  	s20 =	sadd.s32 $0x1C0, s14;
	s23 =	sor.u32 $0xE00, s16  }
0x1a2: {  	[tilespmem:s23], [sflag:$0x7] =	stream.linear.gather [hbm4b:s20+s7], $0x180, $0x38;
	[tilespmem:$0x1E980] =	vst v63  }
0x1a3: {  	_ =	swait.ge [sflag:s26], $0xC00  }
0x1a4: {  	[sflag:s26] =	ssyncset.done $0x0  }
0x1a5: {  	s18 =	sor.u32 $0x100, s16;
	[sflag:s26] =	ssyncadd.s32 $0xFFFFF400  }
0x1a6: {  	[spmem:s6] =	stream.indirect.scatter.add.f32 [tilespmem:s11], [sflag:$0x5], $0x1, s18, s30, $0xb8;
	[tilespmem:$0x1E980] =	vst v63  }
0x1a7: {  	s20 =	sor.u32 $0x300, s16  }
0x1a8: {  	[spmem:s6] =	stream.indirect.scatter.add.f32 [tilespmem:s11], [sflag:$0x5], $0x1, s20, s30, $0xb8;
	[tilespmem:$0x1E980] =	vst v63  }
0x1a9: {  	s23 =	sor.u32 $0x500, s16  }
0x1aa: {  	[spmem:s6] =	stream.indirect.scatter.add.f32 [tilespmem:s11], [sflag:$0x5], $0x1, s23, s30, $0xb8;
	[tilespmem:$0x1E980] =	vst v63  }
0x1ab: {  	s17 =	sor.u32 $0x700, s16  }
0x1ac: {  	[spmem:s6] =	stream.indirect.scatter.add.f32 [tilespmem:s11], [sflag:$0x5], $0x1, s17, s30, $0xb8;
	[tilespmem:$0x1E980] =	vst v63  }
0x1ad: {  	s18 =	sor.u32 $0x900, s16  }
0x1ae: {  	[spmem:s6] =	stream.indirect.scatter.add.f32 [tilespmem:s11], [sflag:$0x5], $0x1, s18, s30, $0xb8;
	[tilespmem:$0x1E980] =	vst v63  }
0x1af: {  	s20 =	sor.u32 $0xB00, s16  }
0x1b0: {  	[spmem:s6] =	stream.indirect.scatter.add.f32 [tilespmem:s11], [sflag:$0x5], $0x1, s20, s30, $0xb8;
	[tilespmem:$0x1E980] =	vst v63  }
0x1b1: {  	s23 =	sor.u32 $0xD00, s16  }
0x1b2: {  	[spmem:s6] =	stream.indirect.scatter.add.f32 [tilespmem:s11], [sflag:$0x5], $0x1, s23, s30, $0xb8;
	[tilespmem:$0x1E980] =	vst v63  }
0x1b3: {  	s17 =	sor.u32 $0xF00, s16  }
0x1b4: {  	[spmem:s6] =	stream.indirect.scatter.add.f32 [tilespmem:s11], [sflag:$0x5], $0x1, s17, s30, $0xb8;
	[tilespmem:$0x1E980] =	vst v63  }
0x1b5: {  	_ =	swait.ge [sflag:s12], $0x80  }
0x1b6: {  	[sflag:s12] =	ssyncset.done $0x0  }
0x1b7: {  	[sflag:s12] =	ssyncadd.s32 $0xFFFFFF80  }
0x1b8: {  	_ =	swait.ge [sflag:s12], $0x80  }
0x1b9: {  	[sflag:s12] =	ssyncset.done $0x0  }
0x1ba: {  	[sflag:s12] =	ssyncadd.s32 $0xFFFFFF80  }
0x1bb: {  	_ =	swait.ge [sflag:s12], $0x80  }
0x1bc: {  	[sflag:s12] =	ssyncset.done $0x0  }
0x1bd: {  	[sflag:s12] =	ssyncadd.s32 $0xFFFFFF80  }
0x1be: {  	_ =	swait.ge [sflag:s12], $0x80  }
0x1bf: {  	[sflag:s12] =	ssyncset.done $0x0  }
0x1c0: {  	[sflag:s12] =	ssyncadd.s32 $0xFFFFFF80  }
0x1c1: {  	_ =	swait.ge [sflag:s12], $0x80  }
0x1c2: {  	[sflag:s12] =	ssyncset.done $0x0  }
0x1c3: {  	[sflag:s12] =	ssyncadd.s32 $0xFFFFFF80  }
0x1c4: {  	_ =	swait.ge [sflag:s12], $0x80  }
0x1c5: {  	[sflag:s12] =	ssyncset.done $0x0  }
0x1c6: {  	[sflag:s12] =	ssyncadd.s32 $0xFFFFFF80  }
0x1c7: {  	_ =	swait.ge [sflag:s12], $0x80  }
0x1c8: {  	[sflag:s12] =	ssyncset.done $0x0  }
0x1c9: {  	[sflag:s12] =	ssyncadd.s32 $0xFFFFFF80  }
0x1ca: {  	_ =	swait.ge [sflag:s12], $0x80  }
0x1cb: {  	[sflag:s12] =	ssyncset.done $0x0  }
0x1cc: {  	s18 =	stileid.u32;
	[sflag:s12] =	ssyncadd.s32 $0xFFFFFF80  }
0x1cd: {  	s13 =	sadd.s32 $0x1, s13;
	s14 =	sshll.u32 s18, $0x6;
	[bflag:$0x0] =	sbarrier.arrive $0xFFFF  }
0x1ce: {  	s14 =	sor.u32 $0x1C07, s14;
	s20 =	sshrl.u32 s9, $0x3;
	s23 =	rddreg [dreg:$0xf]  }
0x1cf: {  	[hbm:s23], [sflag:s14] =	dma.local [spmem:s20], $0x2800  }
0x1d0: {  	p1 =	sne.s32 s13, s22;
	_ =	swait.ge [sflag:s26], $0x2800  }
0x1d1: {  	s18 =	sshrl.u32 s10, $0x3;
	s20 =	simm.s32 $0x20;
	[sflag:s26] =	ssyncset.done $0x0  }
.Ltmp3:
0x1d2: {  	s23 =	simm.s32 $0x10;
	[sflag:s26] =	ssyncadd.s32 $0xFFFFD800;
	(pc) =	sbr.rel @p1 .LBB2_1-.Ltmp3, $4  }
0x1d3: {  	[hbm:s21@s20], [sflag:s14] =	dma.strided [spmem:s18@s23], $0x50, s4, $0x10   }
0x1d4: {  	_ =	swait.ge [sflag:s26], $0x50  }
0x1d5: {  	[sflag:s26] =	ssyncset.done $0x0  }
0x1d6: {  	[sflag:s26] =	ssyncadd.s32 $0xFFFFFFB0  }
0x1d7: {  	_ =	sfence.sel $0x180000  }
0x1d8: {  	[bflag:$0x0] =	sbarrier.arrive $0xFFFF  }
0x1d9: {  	_ =	strace $0x90000047  }
0x1da: {  	[bflag:$0x2] =	sbarrier.arrive $0xFFFF  }
0x1db: {  	s0 =	rddreg [dreg:$0x6]  }
0x1dc: {  	s0 =	sadd.s32 @!p0 $0x100000, s0  }
0x1dd: {  	[sflag:s0] =	ssyncadd.tile.s32 @!p0 $0x1;
	_ =	shalt  }
.Lfunc_end2:
_tile_overlayer_lowered:
.L_overlay_start_2:
0x1de: {  	(tag) =	ssettag $0x2  }
0x1df: {  	s0 =	rddreg [dreg:$0x0];
	s2 =	stileid.u32  }
0x1e0: {  	s1 =	rddreg [dreg:$0x1];
	p0 =	sne.s32 s2, $0x0  }
0x1e1: {  	s3 =	rddreg [dreg:$0x2];
	[bflag:$0x3] =	sbarrier.arrive $0xFFFF;
	s2 =	simm.s32 @!p0 $0x1C07  }
0x1e2: {  	[timem:s3], [sflag:s2] =	dma.local @!p0 [hbm:s0], s1  }
0x1e3: {  	s0 =	simm.s32 @!p0 $0x7  }
0x1e4: {  	_ =	swait.ge @!p0 [sflag:s0], s1  }
0x1e5: {  	s1 =	ssub.s32 @!p0 $0x0, s1;
	[sflag:s0] =	ssyncset.done @!p0 $0x0  }
0x1e6: {  	[sflag:s0] =	ssyncadd.s32 @!p0 s1  }
0x1e7: {  	[bflag:$0x3] =	sbarrier.arrive $0xFFFF  }
0x1e8: {  	_ =	shalt  }

</sc_bundles>
